<compile_context>
chip_gen: v7x
topology: tpu7x:2x2x1
jax: 0.10.2.dev20260603
libtpu: 0.0.44.dev20260713+nightly
codegen_flags: <defaults>
</compile_context>

<pallas_src>
import jax
import jax.numpy as jnp
from jax import lax
from jax.experimental import pallas as pl

N_ELEM = 6_400_000
NUM_SEGMENTS = 100_000
P = 131_072


def _tc_assemble_body(src_ref, tabv_ref, taba_ref, out_ref, arg_ref):
    b = pl.program_id(0)
    r = lax.broadcasted_iota(jnp.int32, (1000, 128), 0)
    c = lax.broadcasted_iota(jnp.int32, (1000, 128), 1)
    pos = (b * 1000 + r) * 128 + c
    fix = pos < NUM_SEGMENTS
    sv = src_ref[...]
    tv = tabv_ref[0:1000, :]
    ta = taba_ref[0:1000, :]
    out_ref[...] = jnp.where(fix, jnp.maximum(sv, tv), sv)
    arg_ref[...] = jnp.where(fix & (tv >= sv), ta, N_ELEM)


def _tc_assemble(src, tabv2, taba2):
    src2 = src.reshape(50_000, 128)
    out2, arg2 = pl.pallas_call(
        _tc_assemble_body,
        grid=(50,),
        in_specs=[
            pl.BlockSpec((1000, 128), lambda b: (b, 0)),
            pl.BlockSpec((P // 128, 128), lambda b: (0, 0)),
            pl.BlockSpec((P // 128, 128), lambda b: (0, 0)),
        ],
        out_specs=[
            pl.BlockSpec((1000, 128), lambda b: (b, 0)),
            pl.BlockSpec((1000, 128), lambda b: (b, 0)),
        ],
        out_shape=[
            jax.ShapeDtypeStruct((50_000, 128), jnp.float32),
            jax.ShapeDtypeStruct((50_000, 128), jnp.int32),
        ],
    )(src2, tabv2, taba2)
    return out2.reshape(N_ELEM), arg2.reshape(N_ELEM)


@jax.jit
def kernel(src, index):
    seg_max = jax.ops.segment_max(src, index, num_segments=NUM_SEGMENTS,
                                  indices_are_sorted=True)
    iota = jnp.arange(N_ELEM, dtype=jnp.int32)
    gathered = seg_max.at[index].get(indices_are_sorted=True,
                                     mode="promise_in_bounds")
    cand = jnp.where(src == gathered, iota, -1)
    seg_arg = jnp.full((NUM_SEGMENTS,), -1, jnp.int32).at[index].max(
        cand, indices_are_sorted=True)
    tabv2 = jnp.concatenate(
        [seg_max, jnp.full((P - NUM_SEGMENTS,), -jnp.inf, jnp.float32)]
    ).reshape(P // 128, 128)
    taba2 = jnp.concatenate(
        [seg_arg, jnp.full((P - NUM_SEGMENTS,), -1, jnp.int32)]
    ).reshape(P // 128, 128)
    return _tc_assemble(src, tabv2, taba2)

# --- scband reference (transcript-rebuilt; emitter-appended) ---
"""Pipeline reference for scband-scatter-max-53429393162897 (READ-ONLY COPY).

The authoritative reference and input builder live on the scoring server;
editing this copy changes nothing except your own understanding.
"""

import jax, jax.numpy as jnp
import numpy as np

N = 6_400_000
NUM_SEG = 100_000


def setup_inputs(seed: int = 0) -> dict:
    key = jax.random.key(seed)
    k1, k2 = jax.random.split(key)
    src = jax.random.normal(k1, (N,), dtype=jnp.float32)
    index = jnp.sort(jax.random.randint(k2, (N,), 0, NUM_SEG, dtype=jnp.int32))
    return {"src": src, "index": index}


def reference(src, index):
    # torch_scatter.scatter_max(src, index, dim=-1, out=src):
    # out[j] = max(src[j], max_{i: index[i]==j} src[i])
    n = src.shape[0]
    seg_max = jax.ops.segment_max(src, index, num_segments=n)
    out = jnp.maximum(src, seg_max)
    # argmax: source position i whose value equals the final out value at its
    # segment; sentinel = src.size(dim) when no scattered element attains the max
    # (either empty segment or original out value dominated).
    cand = jnp.where(src == out[index], jnp.arange(n, dtype=jnp.int32), jnp.int32(-1))
    arg = jnp.full((n,), -1, dtype=jnp.int32).at[index].max(cand)
    arg = jnp.where(arg < 0, jnp.int32(n), arg)
    return (out, arg)

if __name__ == "__main__":
    import jax
    _d = setup_inputs()
    print(jax.jit(kernel)(*tuple(_d.values())))

</pallas_src>

<mosaic_0001>
module attributes {stable_mosaic.version = 14 : i64} {
  func.func @_tc_assemble_body(%arg0: i32, %arg1: memref<1000x128xf32, #tpu.memory_space<vmem>>, %arg2: memref<1024x128xf32, #tpu.memory_space<vmem>>, %arg3: memref<1024x128xi32, #tpu.memory_space<vmem>>, %arg4: memref<1000x128xf32, #tpu.memory_space<vmem>>, %arg5: memref<1000x128xi32, #tpu.memory_space<vmem>>) attributes {dimension_semantics = [#tpu.dimension_semantics<arbitrary>], iteration_bounds = array<i64: 50>, scalar_prefetch = 0 : i64, scratch_operands = 0 : i64, tpu.core_type = #tpu.core_type<tc>, window_params = [{transform_indices = @transform_0, window_bounds = array<i64: 1000, 128>}, {pipeline_mode = #tpu.pipeline_mode<synchronous>, transform_indices = @transform_1, window_bounds = array<i64: 1024, 128>}, {pipeline_mode = #tpu.pipeline_mode<synchronous>, transform_indices = @transform_2, window_bounds = array<i64: 1024, 128>}, {transform_indices = @transform_3, window_bounds = array<i64: 1000, 128>}, {transform_indices = @transform_4, window_bounds = array<i64: 1000, 128>}]} {
    %iota3A = tpu.iota {dimensions = array<i32: 0>} : vector<1000x128xi32>
    %iota3A_0 = tpu.iota {dimensions = array<i32: 1>} : vector<1000x128xi32>
    %mul3A = arith.constant 1000 : i32
    %mul3A_1 = arith.muli %arg0, %mul3A : i32
    %add3A = vector.broadcast %mul3A_1 : i32 to vector<1000x128xi32>
    %add3A_2 = arith.addi %add3A, %iota3A : vector<1000x128xi32>
    %mul3A_3 = arith.constant 128 : i32
    %mul3A_4 = vector.broadcast %mul3A_3 : i32 to vector<1000x128xi32>
    %mul3A_5 = arith.muli %add3A_2, %mul3A_4 : vector<1000x128xi32>
    %add3A_6 = arith.addi %mul3A_5, %iota3A_0 : vector<1000x128xi32>
    %lt3A = arith.constant 100000 : i32
    %lt3A_7 = vector.broadcast %lt3A : i32 to vector<1000x128xi32>
    %lt3A_8 = arith.cmpi slt, %add3A_6, %lt3A_7 : vector<1000x128xi32>
    %get3A = arith.constant 0 : index
    %get3A_9 = arith.constant 0 : index
    %get3A_10 = vector.load %arg1[%get3A, %get3A_9] : memref<1000x128xf32, #tpu.memory_space<vmem>>, vector<1000x128xf32>
    %get3A_11 = arith.constant 0 : index
    %get3A_12 = arith.constant 0 : index
    %get3A_13 = vector.load %arg2[%get3A_11, %get3A_12] : memref<1024x128xf32, #tpu.memory_space<vmem>>, vector<1000x128xf32>
    %get3A_14 = arith.constant 0 : index
    %get3A_15 = arith.constant 0 : index
    %get3A_16 = vector.load %arg3[%get3A_14, %get3A_15] : memref<1024x128xi32, #tpu.memory_space<vmem>>, vector<1000x128xi32>
    %max3A = arith.maximumf %get3A_10, %get3A_13 : vector<1000x128xf32>
    %select_n3A = arith.select %lt3A_8, %max3A, %get3A_10 : vector<1000x128xi1>, vector<1000x128xf32>
    %swap3A = arith.constant 0 : index
    %swap3A_17 = arith.constant 0 : index
    %swap3A_18 = vector.load %arg4[%swap3A, %swap3A_17] : memref<1000x128xf32, #tpu.memory_space<vmem>>, vector<1000x128xf32>
    tpu.vector_store %arg4[%swap3A, %swap3A_17], %select_n3A {strides = array<i32>} : memref<1000x128xf32, #tpu.memory_space<vmem>>, vector<1000x128xf32>,
    %ge3A = arith.cmpf oge, %get3A_13, %get3A_10 : vector<1000x128xf32>
    %and3A = arith.andi %lt3A_8, %ge3A : vector<1000x128xi1>
    %jit3A = arith.constant 6400000 : i32
    %broadcast_in_dim3A = vector.broadcast %jit3A : i32 to vector<1000x128xi32>
    %select_n3A_19 = arith.select %and3A, %get3A_16, %broadcast_in_dim3A : vector<1000x128xi1>, vector<1000x128xi32>
    %swap3A_20 = arith.constant 0 : index
    %swap3A_21 = arith.constant 0 : index
    %swap3A_22 = vector.load %arg5[%swap3A_20, %swap3A_21] : memref<1000x128xi32, #tpu.memory_space<vmem>>, vector<1000x128xi32>
    tpu.vector_store %arg5[%swap3A_20, %swap3A_21], %select_n3A_19 {strides = array<i32>} : memref<1000x128xi32, #tpu.memory_space<vmem>>, vector<1000x128xi32>,
    return
  }
  func.func @transform_0(%arg0: i32) -> (i32, i32) {
    %c0_i32 = arith.constant 0 : i32
    %c0_i32_0 = arith.constant 0 : i32
    return %arg0, %c0_i32 : i32, i32
  }
  func.func @transform_1(%arg0: i32) -> (i32, i32) {
    %c0_i32 = arith.constant 0 : i32
    %c0_i32_0 = arith.constant 0 : i32
    %c0_i32_1 = arith.constant 0 : i32
    return %c0_i32, %c0_i32_0 : i32, i32
  }
  func.func @transform_2(%arg0: i32) -> (i32, i32) {
    %c0_i32 = arith.constant 0 : i32
    %c0_i32_0 = arith.constant 0 : i32
    %c0_i32_1 = arith.constant 0 : i32
    return %c0_i32, %c0_i32_0 : i32, i32
  }
  func.func @transform_3(%arg0: i32) -> (i32, i32) {
    %c0_i32 = arith.constant 0 : i32
    %c0_i32_0 = arith.constant 0 : i32
    return %arg0, %c0_i32 : i32, i32
  }
  func.func @transform_4(%arg0: i32) -> (i32, i32) {
    %c0_i32 = arith.constant 0 : i32
    %c0_i32_0 = arith.constant 0 : i32
    return %arg0, %c0_i32 : i32, i32
  }
}

</mosaic_0001>

<sc_bundles>
// kernel: scatter_offload_async_start.1
scs
__scs_entry_jumppad:
0x0: {  	(pc) =	sbr.rel $0x88, $3  }
0x1: {  	(tag) =	ssettag $0x0;
	lr =	simm.s32 $0x1  }
0x2: {  	[smem:$0x3F9F] =	sst lr;
	_ =	strace $0xD0000000  }
0x3: {  	_ = 	snop  }
0x4: {  	_ = 	snop  }
0x5: {  	_ = 	snop  }
0x6: {  	_ = 	snop  }
0x7: {  	_ = 	snop  }
__scs_overlays_trampoline_lowered:
0x8: {  	[smem:$0x3FAE] =	sst s0  }
0x9: {  	[smem:$0x3FAF] =	sst s1  }
0xa: {  	[smem:$0x3FB0] =	sst s2  }
0xb: {  	[smem:$0x3FB1] =	sst s3  }
0xc: {  	[smem:$0x3FB2] =	sst s4  }
0xd: {  	[smem:$0x3FB3] =	sst s5  }
0xe: {  	[smem:$0x3FB4] =	sst s6  }
0xf: {  	[smem:$0x3FB5] =	sst s7  }
0x10: {  	[smem:$0x3FB6] =	sst s8  }
0x11: {  	[smem:$0x3FB7] =	sst s9;
	s0 =	simm.s32 @!p0 $0x0  }
0x12: {  	s1 =	sld [smem:$0x3F9D];
	s0 =	simm.s32 @p0 $0x1  }
0x13: {  	[smem:$0x3FB8] =	sst s0;
	s0 =	simm.s32 @!p1 $0x0  }
0x14: {  	s2 =	sld [smem:$0x3F9C];
	s0 =	simm.s32 @p1 $0x1  }
0x15: {  	[smem:$0x3FB9] =	sst s0;
	s0 =	simm.s32 @!p2 $0x0  }
0x16: {  	s3 =	sld [smem:$0x3FDB];
	s0 =	simm.s32 @p2 $0x1  }
0x17: {  	s4 =	simm.s32 $0x1BF5;
	[smem:$0x3FBB] =	sst s0  }
0x18: {  	s0 =	sld [smem:$0x3F9E];
	_ =	swait.ge [sflag:s4], $0x0  }
0x19: {  	s7 =	sld [smem:$0x3F9F]  }
0x1a: {  	s8 =	sadd.s32 $0xFFFFE003, lr  }
0x1b: {  	s9 =	sadd.s32 $0xFFFFFEF7, lr;
	s5 =	simm.s32 $0xFFFFFFFF;
	p2 =	slt.u32 s8, $0xFFFFF086  }
0x1c: {  	p1 =	slt.u32 s9, $0xF7A;
	s5 =	simm.s32 @!p2 $0x0  }
0x1d: {  	s5 =	simm.s32 @p1 $0x1;
	p0 =	seq.s32 s7, s2  }
0x1e: {  	s7 =	smul.u32 @!p0 $0xF7A, s2;
	p2 =	seq.s32 @!p0 s5, $0x0  }
0x1f: {  	s9 =	smul.u32 $0xF7A, s1;
	s8 =	simm.s32 @!p0 $0x1BF5;
	p2 =	por !p2, p0  }
0x20: {  	[sflag:s8] =	ssyncset.s32 @!p0 $0xFFFFF086;
	s6 =	sadd.s32 @!p0 s3, s7;
	s7 =	simm.s32 @!p0 $0x108  }
0x21: {  	s3 =	sadd.s32 s3, s9;
	s6 =	sadd.s32 @!p0 $0x88, s6;
	s7 =	simm.s32 @p2 $0x1082  }
0x22: {  	[simem:s7], [sflag:s8] =	dma.local @!p0 [hbm:s6], $0xF7A  }
0x23: {  	s9 =	sor.u32 $0xD0000000, s2;
	s6 =	simm.s32 $0x108;
	_ =	swait.ge @!p0 [sflag:s8], $0x0  }
0x24: {  	s3 =	sadd.s32 $0x88, s3;
	s6 =	simm.s32 @!p1 $0x1082;
	[sflag:s4] =	ssyncset.s32 $0xFFFFF086  }
0x25: {  	[simem:s6], [sflag:s4] =	dma.local [hbm:s3], $0xF7A  }
0x26: {  	[smem:$0x3F9F] =	sst s1;
	(tag) =	ssettag s2;
	_ =	strace s9  }
0x27: {  	s1 =	sld [smem:$0x3FAF]  }
0x28: {  	s2 =	sld [smem:$0x3FB0]  }
0x29: {  	s4 =	sld [smem:$0x3FB2]  }
0x2a: {  	p0 =	seq.s32 s5, $0x0;
	s5 =	sld [smem:$0x3FB3]  }
0x2b: {  	s6 =	sld [smem:$0x3FB4]  }
0x2c: {  	s7 =	sld [smem:$0x3FB5]  }
0x2d: {  	s3 =	simm.s32 $0x108;
	s8 =	sld [smem:$0x3FB6]  }
0x2e: {  	s3 =	simm.s32 @!p0 $0x1082;
	s9 =	sld [smem:$0x3FB7]  }
0x2f: {  	lr =	sadd.s32 s0, s3;
	s0 =	sld [smem:$0x3FAE]  }
0x30: {  	s3 =	sld [smem:$0x3FB1]  }
0x31: {  	[smem:$0x3FBA] =	sst s10  }
0x32: {  	s10 =	sld [smem:$0x3FB8];
	_ =	sdelay $0x3  }
0x33: {  	p0 =	seq.s32 s10, $0x1;
	s10 =	sld [smem:$0x3FBA];
	_ =	sdelay $0x3  }
0x34: {  	[smem:$0x3FBA] =	sst s10  }
0x35: {  	s10 =	sld [smem:$0x3FB9];
	_ =	sdelay $0x3  }
0x36: {  	p1 =	seq.s32 s10, $0x1;
	s10 =	sld [smem:$0x3FBA];
	_ =	sdelay $0x3  }
0x37: {  	[smem:$0x3FBA] =	sst s10  }
0x38: {  	s10 =	sld [smem:$0x3FBB]  }
0x39: {  	_ = 	snop;
	(pc) =	sbr.ind lr, $3  }
0x3a: {  	_ = 	snop  }
0x3b: {  	_ = 	snop  }
0x3c: {  	p2 =	seq.s32 s10, $0x1;
	s10 =	sld [smem:$0x3FBA]  }
0x3d: {  	_ =	shalt  }
0x3e: {  	_ =	shalt  }
0x3f: {  	_ =	shalt  }
0x40: {  	_ =	shalt  }
0x41: {  	_ =	shalt  }
0x42: {  	_ =	shalt  }
0x43: {  	_ =	shalt  }
0x44: {  	_ =	shalt  }
0x45: {  	_ =	shalt  }
0x46: {  	_ =	shalt  }
0x47: {  	_ =	shalt  }
0x48: {  	_ =	shalt  }
0x49: {  	_ =	shalt  }
0x4a: {  	_ =	shalt  }
0x4b: {  	_ =	shalt  }
0x4c: {  	_ =	shalt  }
0x4d: {  	_ =	shalt  }
0x4e: {  	_ =	shalt  }
0x4f: {  	_ =	shalt  }
0x50: {  	_ =	shalt  }
0x51: {  	_ =	shalt  }
0x52: {  	_ =	shalt  }
0x53: {  	_ =	shalt  }
0x54: {  	_ =	shalt  }
0x55: {  	_ =	shalt  }
0x56: {  	_ =	shalt  }
0x57: {  	_ =	shalt  }
0x58: {  	_ =	shalt  }
0x59: {  	_ =	shalt  }
0x5a: {  	_ =	shalt  }
0x5b: {  	_ =	shalt  }
0x5c: {  	_ =	shalt  }
0x5d: {  	_ =	shalt  }
0x5e: {  	_ =	shalt  }
0x5f: {  	_ =	shalt  }
0x60: {  	_ =	shalt  }
0x61: {  	_ =	shalt  }
0x62: {  	_ =	shalt  }
0x63: {  	_ =	shalt  }
0x64: {  	_ =	shalt  }
0x65: {  	_ =	shalt  }
0x66: {  	_ =	shalt  }
0x67: {  	_ =	shalt  }
0x68: {  	_ =	shalt  }
0x69: {  	_ =	shalt  }
0x6a: {  	_ =	shalt  }
0x6b: {  	_ =	shalt  }
0x6c: {  	_ =	shalt  }
0x6d: {  	_ =	shalt  }
0x6e: {  	_ =	shalt  }
0x6f: {  	_ =	shalt  }
0x70: {  	_ =	shalt  }
0x71: {  	_ =	shalt  }
0x72: {  	_ =	shalt  }
0x73: {  	_ =	shalt  }
0x74: {  	_ =	shalt  }
0x75: {  	_ =	shalt  }
0x76: {  	_ =	shalt  }
0x77: {  	_ =	shalt  }
0x78: {  	_ =	shalt  }
0x79: {  	_ =	shalt  }
0x7a: {  	_ =	shalt  }
0x7b: {  	_ =	shalt  }
0x7c: {  	_ =	shalt  }
0x7d: {  	_ =	shalt  }
0x7e: {  	_ =	shalt  }
0x7f: {  	_ =	shalt  }
0x80: {  	_ =	shalt  }
0x81: {  	_ =	shalt  }
0x82: {  	_ =	shalt  }
0x83: {  	_ =	shalt  }
0x84: {  	_ =	shalt  }
0x85: {  	_ =	shalt  }
0x86: {  	_ =	shalt  }
0x87: {  	_ =	shalt  }
.Lfunc_end0:
.L_simem_size_0:
called_computation.1_lowered:
.L_overlay_start_0:
0x88: {  	s0 =	sld [smem:$0x3FD9]  }
0x89: {  	s1 =	sld [smem:$0x3FFE];
	_ =	sdelay $0x3  }
0x8a: {  	s0 =	sadd.s32 s1, s0  }
0x8b: {  	[smem:$0x3FC6] =	sst s0  }
0x8c: {  	_ = 	snop  }
0x8d: {  	s0 =	sld [smem:$0x3FD0];
	_ =	sdelay $0x2  }
0x8e: {  	s13 =	simm.s32 $0xA;
	s2 =	simm.s32 $0x10  }
0x8f: {  	[smem:s2], [sflag:s13] =	dma.local [hbm:s0], $0x1  }
0x90: {  	_ =	swait.eq [sflag:s13], $0x1  }
0x91: {  	[sflag:s13] =	ssyncset.done $0x0  }
0x92: {  	s14 =	sld [smem:$0x10];
	[sflag:s13] =	ssyncadd.s32 $0xFFFFFFFF  }
0x93: {  	s15 =	sld [smem:$0x11];
	(tm) =	ssettm $0x1  }
0x94: {  	s16 =	sld [smem:$0x3FFB];
	_ =	sdelay $0x3  }
0x95: {  	_ =	strace s16  }
0x96: {  	s2 =	sld [smem:$0x3FFC];
	_ =	sdelay $0x3  }
0x97: {  	_ =	strace s2  }
0x98: {  	s2 =	sld [smem:$0x3FFD];
	_ =	sdelay $0x3  }
0x99: {  	_ =	strace s2  }
0x9a: {  	_ =	strace $0x8FFFFFFF  }
0x9b: {  	s17 =	sld [smem:$0x3FDB];
	_ =	sdelay $0x1  }
0x9c: {  	s3 =	simm.s32 $_scs_section_size  }
0x9d: {  	s4 =	simm.s32 $_size__tile_overlayer_lowered;
	s5 =	simm.s32 $_tile_overlayer_lowered  }
0x9e: {  	s20 =	simm.s32 $0x1BFF;
	s19 =	sshll.u32 s5, $0x1;
	s2 =	sadd.s32 s3, s17  }
0x9f: {  	s6 =	simm.s32 $0x0;
	s18 =	sshll.u32 s4, $0x1;
	s4 =	sadd.s32 s19, s2  }
0xa0: {  	[timem:s6], [sflag:s20] =	dma.local [hbm:s4], s18  }
0xa1: {  	_ =	swait.ge [sflag:s20], s18  }
0xa2: {  	s3 =	ssub.s32 $0x0, s18;
	[sflag:s20] =	ssyncset.done $0x0  }
0xa3: {  	[sflag:s20] =	ssyncadd.s32 s3;
	_ =	sdelay $0x1  }
0xa4: {  	s21 =	simm.s32 $0x1B8B  }
0xa5: {  	_ =	swait.ge [sflag:s21], $0x1  }
0xa6: {  	[sflag:s21] =	ssyncset.done $0x0  }
0xa7: {  	s23 =	simm.s32 $0x1B8E;
	s22 =	sld [smem:$0x3FFE];
	[sflag:s21] =	ssyncadd.s32 $0xFFFFFFFF  }
0xa8: {  	s24 =	simm.s32 $execute0_lowered;
	[smem:$0x3FD2] =	sst s23  }
0xa9: {  	s4 =	sshll.u32 s24, $0x1;
	_ =	strace $0x80000049;
	[dreg:$0x1] =	wrdreg $0xFFFFFFFF  }
0xaa: {  	s25 =	simm.s32 $_size_execute0_lowered;
	s2 =	sadd.s32 s2, s4;
	[dreg:$0x0] =	wrdreg $0x0  }
0xab: {  	s4 =	sshll.u32 s25, $0x1;
	[dreg:$0x2] =	wrdreg s2  }
0xac: {  	[dreg:$0x3] =	wrdreg s4  }
0xad: {  	[dreg:$0x4] =	wrdreg $0xC0  }
0xae: {  	_ =	task [dreg:s6], $0x5FFFF  }
0xaf: {  	[dreg:$0x1] =	wrdreg $0xFFFFFFFF  }
0xb0: {  	[dreg:$0x0] =	wrdreg $0x60  }
0xb1: {  	[dreg:$0x2] =	wrdreg s22  }
0xb2: {  	[dreg:$0x3] =	wrdreg s14  }
0xb3: {  	[dreg:$0x4] =	wrdreg s15  }
0xb4: {  	[dreg:$0x5] =	wrdreg $0x9  }
0xb5: {  	_ =	task.clear_ibuf [dreg:s6], $0x6FFFF;
	_ =	strace $0x90000049  }
0xb6: {  	s26 =	simm.s32 $0x9;
	_ =	strace $0x8000004B  }
0xb7: {  	_ =	swait.ge [sflag:s26], $0x1  }
0xb8: {  	[sflag:s26] =	ssyncadd.s32 $0xFFFFFFFF  }
0xb9: {  	_ =	strace $0x9000004B  }
0xba: {  	_ =	sfence  }
0xbb: {  	s28 =	sld [smem:$0x0];
	_ =	sdelay $0x1  }
0xbc: {  	s29 =	srdreg.scid  }
0xbd: {  	s30 =	sshll.u32 s29, $0xD;
	s31 =	sshrl.u32 s29, $0x2  }
0xbe: {  	s1 =	sand.u32 $0x1, s29;
	s2 =	sand.u32 $0x4000, s30;
	s0 =	sadd.s32 s31, s28  }
0xbf: {  	s1 =	sor.u32 s2, s1;
	s0 =	sshll.u32 s0, $0x11  }
0xc0: {  	s0 =	sor.u32 s0, s1  }
0xc1: {  	s0 =	sadd.s32 $0x8F2B, s0  }
0xc2: {  	[sflag:s0] =	ssyncadd.remote.s32 $0x1  }
0xc3: {  	_ =	sfence.sel $0xFFFF  }
0xc4: {  	[dreg:$0x0] =	wrdreg $0xFFFFFFFF;
	(pc) =	sbr.abs _section_cstart, $3  }
0xc5: {  	[dreg:$0x1] =	wrdreg $0xFFFFFFFF  }
0xc6: {  	_ =	task.clear_ibuf [dreg:s6], $0x2FFFF;
	_ =	strace $0x9FFFFFFF  }
0xc7: {  	(tm) =	ssettm $0x7FFFFFFF  }
tec
execute0_lowered:
.L_overlay_start_1:
0x0: {  	(tag) =	ssettag $0x1  }
0x1: {  	s1 =	rddreg [dreg:$0x0]  }
0x2: {  	s2 =	rddreg [dreg:$0x1]  }
0x3: {  	s3 =	rddreg [dreg:$0x2]  }
0x4: {  	s0 =	rddreg [dreg:$0x3];
	_ =	strace $0x8000004A;
	s4 =	simm.s32 $0x1  }
0x5: {  	v1 =	vimm.s32 $0xFFFFFFFF;
	[sflag:s4] =	ssyncpa.u1 $0x0  }
0x6: {  	[tilespmem:$0x10] =	vst v1  }
0x7: {  	v0 =	vimm.s32 $0x80000000;
	[tilespmem:$0x20] =	vst v1  }
0x8: {  	[tilespmem:$0x30] =	vst v0  }
0x9: {  	[tilespmem:$0x40] =	vst v0  }
0xa: {  	[tilespmem:$0x50] =	vst v0  }
0xb: {  	[tilespmem:$0x60] =	vst v1  }
0xc: {  	s31 =	simm.s32 $0x2;
	s5 =	simm.s32 $0x7;
	s7 =	simm.s32 $0x8;
	[tilespmem:$0x70] =	vst v1  }
0xd: {  	s9 =	simm.s32 $0x9;
	s13 =	simm.s32 $0x0;
	s14 =	simm.s32 $0xFF;
	[tilespmem:$0x80] =	vst v1  }
0xe: {  	p0 =	por $0x0, $0x0;
	s15 =	simm.s32 $0xFFFFC280;
	s16 =	simm.s32 $0xFFFFFFFE;
	v1 =	vimm.s32 $0x0;
	[tilespmem:$0xB0] =	vst v0  }
0xf: {  	s17 =	simm.s32 $0xF;
	s18 =	simm.s32 $0x30;
	s21 =	simm.s32 $0x0;
	[tilespmem:$0x90] =	vst v1  }
.Ltmp0:
0x10: {  	s4 =	stileid.u32;
	[tilespmem:$0xA0] =	vst v1;
	[sflag:s31] =	ssyncpa.u1 $0x0;
	(pc) =	sbr.rel .LBB2_1-.Ltmp0, $4  }
0x11: {  	s19 =	simm.s32 $0x0;
	s6 =	smul.u32 $0x61A80, s4;
	[sflag:s5] =	ssyncpa.u1 $0x0  }
0x12: {  	s1 =	sadd.s32 $0x3A00, s1;
	s11 =	sshllo.u32 s4, $0x1;
	[sflag:s7] =	ssyncpa.u1 $0x0  }
0x13: {  	vm0 =	vmmov $0xffff;
	v2 =	vlaneseq.u32;
	s8 =	sadd.s32 $0x61A80, s6;
	[sflag:s9] =	ssyncpa.u1 $0x0;
	s9 =	sshll.u32 s4, $0x1  }
0x14: {  	vm1 =	vmxor vm1, vm1;
	vm2 =	vmmov $0x1;
	vm3 =	vcmask $0x3F3C;
	s20 =	smov.u32 s6;
	s10 =	sor.u32 $0x81, s9;
	s12 =	sor.u32 $0x80, s9  }
.LBB2_8:
0x15: {  	_ =	sdelay $0x3  }
0x16: {  	[hbm4b:s1+s13] =	stream.indirect_vreg.scatter [tilespmem:s25], [sflag:$0x2], $0x1, v8, vm0, $0x4038;
	[tilespmem:$0x11A60] =	vst v63  }
0x17: {  	v3 =	vld [tilespmem:s24+$0xFAF0];
	_ =	sdelay $0x4  }
0x18: {  	v3 =	vshift.insert v3, v1, s17;
	_ =	sdelay $0x1  }
0x19: {  	[tilespmem:s18+$0x0] =	vst.msk $0x1, v3  }
0x1a: {  	v3 =	vsel vm4, $0x1, v1;
	[tilespmem:$0x90] =	vst v6  }
0x1b: {  	s24 =	sadd.s32 @!p1 $0xFAFF, s24;
	[tilespmem:$0xA0] =	vst v3  }
0x1c: {  	[spmem:s11] =	stream.linear.scatter @!p1 [tilespmem:s24], [sflag:$0x1], $0x1, $0x38;
	[tilespmem:$0x11A60] =	vst v63  }
0x1d: {  	s24 =	simm.s32 @!p1 $0x1  }
0x1e: {  	v3 =	vmctz.xlane @!p1 vm4;
	_ =	swait.ge @!p1 [sflag:s24], $0x1  }
0x1f: {  	(v2sf) =	vpush @!p1 v4, $0x0  }
0x20: {  	(v2sf) =	vpush @!p1 v3, $0x0;
	_ =	sdelay $0xd  }
0x21: {  	s25 =	spop @!p1 (v2sf)  }
0x22: {  	s26 =	spop @!p1 (v2sf)  }
0x23: {  	p2 =	sne.s32 @!p1 s23, s25;
	p3 =	slt.s32 @!p1 s26, $0xF  }
0x24: {  	[sflag:s24] =	ssyncset.done @!p1 $0x0;
	p2 =	por p2, p1;
	p3 =	por !p3, p1  }
0x25: {  	[sflag:s24] =	ssyncadd.s32 @!p1 $0xFFFFFFFF;
	v3 =	vimm.s32 @!p2 $0xFFFFFFFF;
	s26 =	simm.s32 @p3 $0xF  }
0x26: {  	[tilespmem:$0x80] =	vst @!p2 v3;
	s23 =	sadd.s32 @!p1 $0x90, s26  }
0x27: {  	[spmem:s9] =	stream.linear.scatter @!p1 [tilespmem:s23], [sflag:$0x1], $0x1, $0x38;
	[tilespmem:$0x11A60] =	vst v63  }
0x28: {  	_ =	swait.ge @!p1 [sflag:s24], $0x1  }
0x29: {  	[sflag:s24] =	ssyncset.done @!p1 $0x0  }
0x2a: {  	s23 =	simm.s32 @!p1 $0x80;
	[sflag:s24] =	ssyncadd.s32 @!p1 $0xFFFFFFFF  }
0x2b: {  	[spmem:s12] =	stream.linear.scatter @!p1 [tilespmem:s23], [sflag:$0x1], $0x1, $0x38;
	[tilespmem:$0x11A60] =	vst v63  }
0x2c: {  	_ =	swait.ge @!p1 [sflag:s24], $0x1  }
0x2d: {  	[sflag:s24] =	ssyncset.done @!p1 $0x0  }
0x2e: {  	[sflag:s24] =	ssyncadd.s32 @!p1 $0xFFFFFFFF;
	(ifvalue) =	ssetifvalue $0xFFFFFFFF;
	v3 =	vld [tilespmem:s21+$0x10];
	_ =	sdelay $0x6  }
0x2f: {  	(ifvalue) =	ssetifvalue $0xFFFFFFFF  }
0x30: {  	[hbm4b:s1+s13] =	stream.indirect_vreg.scatter [tilespmem:s22], [sflag:$0x9], $0x1, v3, vm0, $0x4038;
	[tilespmem:$0x11A60] =	vst v63  }
.LBB2_9:
0x31: {  	p1 =	slt.u32 s19, $0x3  }
0x32: {  	s21 =	simm.s32 @!p1 $0x2  }
0x33: {  	_ =	swait.ge @!p1 [sflag:s21], $0x1F40  }
0x34: {  	[sflag:s21] =	ssyncset.done @!p1 $0x0  }
0x35: {  	[sflag:s21] =	ssyncadd.s32 @!p1 $0xFFFFE0C0;
	s21 =	simm.s32 @!p1 $0x9  }
0x36: {  	_ =	swait.ge @!p1 [sflag:s21], $0x10  }
0x37: {  	s22 =	sadd.s32 $0x1F40, s20;
	s23 =	smov.u32 s6;
	[sflag:s21] =	ssyncset.done @!p1 $0x0  }
0x38: {  	s19 =	sadd.s32 $0x1, s19;
	[sflag:s21] =	ssyncadd.s32 @!p1 $0xFFFFFFF0;
	p1 =	slt.s32 s22, s8  }
0x39: {  	s23 =	smov.u32 @p1 s22;
	p1 =	sne.s32 s19, $0x35  }
.Ltmp1:
0x3a: {  	_ = 	snop;
	(pc) =	sbr.rel @!p1 .LBB2_10-.Ltmp1, $3  }
0x3b: {  	_ =	sdelay $0x1  }
0x3c: {  	s14 =	sadd.s32 $0x1, s14;
	p0 =	por !p0, !p0;
	s15 =	sadd.s32 $0x1F40, s15  }
0x3d: {  	s16 =	sadd.s32 $0x1, s16;
	s21 =	smov.u32 s20;
	s20 =	smov.u32 s23  }
.LBB2_1:
0x3e: {  	p1 =	sgt.u32 s19, $0x31  }
0x3f: {  	s22 =	smul.u32 @!p1 $0xAB, s19;
	_ =	sdelay $0x1  }
0x40: {  	s22 =	sshrl.u32 @!p1 s22, $0x9  }
0x41: {  	s22 =	sand.u32 @!p1 $0x7F, s22  }
0x42: {  	s22 =	smul.u32 @!p1 $0x3, s22;
	_ =	sdelay $0x1  }
0x43: {  	s22 =	ssub.s32 @!p1 s19, s22  }
0x44: {  	s22 =	sand.u32 @!p1 $0xFF, s22  }
0x45: {  	s22 =	smul.u32 @!p1 $0x7D00, s22;
	_ =	sdelay $0x1  }
0x46: {  	s23 =	sshrl.u32 @!p1 s20, $0x3;
	s22 =	sshrl.u32 @!p1 s22, $0x2  }
0x47: {  	s24 =	sand.u32 @!p1 $0x7, s20;
	s23 =	sadd.s32 @!p1 s2, s23;
	s22 =	sadd.s32 @!p1 $0x100, s22  }
0x48: {  	[tilespmem:s22], [sflag:$0x7] =	stream.linear.gather @!p1 [hbm4b:s23+s24], $0x1F40, $0x38;
	[tilespmem:$0x11A60] =	vst v63  }
0x49: {  	s22 =	sadd.s32 $0xFFFFFFFF, s19  }
0x4a: {  	p1 =	sgt.u32 s22, $0x31  }
.Ltmp2:
0x4b: {  	_ = 	snop;
	(pc) =	sbr.rel @p1 .LBB2_5-.Ltmp2, $1  }
0x4c: {  	_ =	sdelay $0x3  }
0x4d: {  	s23 =	smul.u32 $0xAB, s22;
	_ =	sdelay $0x1  }
0x4e: {  	s23 =	sshrl.u32 s23, $0x9  }
0x4f: {  	s23 =	sand.u32 $0x7F, s23  }
0x50: {  	s23 =	smul.u32 $0x3, s23;
	_ =	sdelay $0x1  }
0x51: {  	s23 =	ssub.s32 s22, s23  }
0x52: {  	s23 =	sand.u32 $0xFF, s23  }
0x53: {  	s23 =	smul.u32 $0x7D00, s23  }
0x54: {  	_ =	swait.ge [sflag:s5], $0x1F40  }
0x55: {  	[sflag:s5] =	ssyncset.done $0x0;
	s23 =	sshrl.u32 s23, $0x2  }
0x56: {  	[sflag:s5] =	ssyncadd.s32 $0xFFFFE0C0;
	(ifvalue) =	ssetifvalue $0xFFFFFFFF;
	v3 =	vld.msk [tilespmem:s23+$0x100 ss:$0x1], $0xffff  }
0x57: {  	s29 =	sand.u32 $0xFF, s14  }
0x58: {  	s24 =	smulhi.u32 $0x55555556, s29  }
0x59: {  	p1 =	sne.s32 s19, $0x1  }
0x5a: {  	v4 =	vimm.s32 @!p1 $0x0;
	s24 =	smul.u32 $0x17700, s24  }
0x5b: {  	s23 =	smul.u32 $0x7D00, s29;
	v4 =	vperm.xlane @!p1 v3, v4  }
0x5c: {  	s25 =	sshll.u32 s19, $0x4;
	vm4 =	vlt.u32 v3, $0x18800  }
0x5d: {  	s30 =	sand.u32 $0x10, s25;
	s23 =	ssub.s32 s23, s24;
	v3 =	vnsel vm4, $0xFFFFFFFE, v3;
	vm4 =	vlt.u32 @!p1 v4, $0x18800  }
0x5e: {  	s23 =	sshra.s32 s23, $0x2;
	[tilespmem:s30+$0x60] =	vst v3;
	v3 =	vnsel @!p1 vm4, $0xFFFFFFFE, v4  }
0x5f: {  	s26 =	sadd.s32 $0x2030, s23;
	[tilespmem:$0x80] =	vst @!p1 v3  }
0x60: {  	v3 =	vld.msk [tilespmem:s26+$0x0 ss:$0x1], $0xffff;
	_ =	sdelay $0x4  }
0x61: {  	(xrf1) =	vunique.msk.u32 $0xffff, v3;
	_ =	sdelay $0xd  }
0x62: {  	v4 =	vimm.s32 $0xFFFFFFFF;
	v5, _, _ =	vpop (xrf1)  }
0x63: {  	vm5 =	vne.s32 v3, v4;
	vm4 =	veq.s32 v5, v2  }
0x64: {  	vm6 =	vlt.u32 v3, $0x18800;
	vm4 =	vmand vm5, vm4  }
0x65: {  	vm4 =	vmand vm6, vm4  }
0x66: {  	v4 =	vnsel vm4, $0xFFFFFFFF, v3  }
0x67: {  	s31 =	sand.u32 $0x1, s22  }
0x68: {  	s22 =	simm.s32 $0x1F40;
	p1 =	seq.s32 s31, $0x1  }
0x69: {  	s22 =	simm.s32 @!p1 $0x0  }
0x6a: {  	s23 =	sadd.s32 $0x7DF0, s22;
	(ifvalue) =	ssetifvalue $0xFFFFFFFF  }
0x6b: {  	v3 =	vperm.xlane v3, v1;
	[tilespmem:s23], [sflag:$0x8] =	stream.indirect_vreg.gather [hbm4b:s1+s13], $0x1, v4, vm0, $0x4038;
	v4 =	vnsel vm6, $0xFFFFFFFE, v4;
	[tilespmem:$0x11A60] =	vst v63  }
0x6c: {  	s24 =	simm.s32 $0x0;
	s25 =	sadd.s32 $0xFFFFFFF0, s26;
	[tilespmem:s26+$0x0] =	vst v4  }
.LBB2_3:
0x6d: {  	v4 =	vld.msk [tilespmem:s25+$0x0 ss:$0x1], $0xffff;
	s24 =	sadd.s32 $0x10, s24;
	v5 =	vmov v3;
	s26 =	smov.u32 s25  }
0x6e: {  	p1 =	slt.u32 s24, $0x1F30;
	_ =	sdelay $0x4  }
0x6f: {  	v3 =	vperm.xlane v4, v1;
	(xrf1) =	vunique.msk.u32 $0xffff, v4;
	_ =	sdelay $0xd  }
0x70: {  	v6, _, _ =	vpop (xrf1)  }
0x71: {  	vm5 =	vne.s32 v4, v5;
	vm4 =	veq.s32 v6, v2  }
0x72: {  	vm6 =	vlt.u32 v4, $0x18800;
	vm4 =	vmand vm5, vm4  }
0x73: {  	vm4 =	vmand vm6, vm4  }
0x74: {  	v4 =	vnsel vm4, $0xFFFFFFFF, v4  }
.Ltmp3:
0x75: {  	v5 =	vnsel vm6, $0xFFFFFFFE, v4;
	(pc) =	sbr.rel @p1 .LBB2_3-.Ltmp3, $3  }
0x76: {  	_ =	sdelay $0x1  }
0x77: {  	s25 =	sadd.s32 $0xFFFFFFF0, s25;
	s23 =	sadd.s32 $0xFFFFFFF0, s23;
	(ifvalue) =	ssetifvalue $0xFFFFFFFF  }
0x78: {  	[tilespmem:s23], [sflag:$0x8] =	stream.indirect_vreg.gather [hbm4b:s1+s13], $0x1, v4, vm0, $0x4038;
	[tilespmem:s26+$0x0] =	vst v5  }
0x79: {  	s21 =	sshrl.u32 s21, $0x3  }
0x7a: {  	s22 =	sadd.s32 $0x9D40, s22;
	s21 =	sadd.s32 s3, s21  }
0x7b: {  	[tilespmem:s22], [sflag:$0x8] =	stream.linear.gather [hbm:s21], $0x1F40, $0x38;
	[tilespmem:$0x11A60] =	vst v63  }
.LBB2_5:
0x7c: {  	p1 =	slt.u32 s19, $0x2  }
0x7d: {  	p2 =	seq.s32 @!p1 s19, $0x34  }
0x7e: {  	p1 =	por p1, p2  }
.Ltmp4:
0x7f: {  	_ = 	snop;
	(pc) =	sbr.rel @p1 .LBB2_9-.Ltmp4, $1  }
0x80: {  	_ =	sdelay $0x3  }
0x81: {  	s21 =	sadd.s32 $0xFFFFFFFE, s19  }
0x82: {  	s22 =	smulhi.u32 $0xAAAAAAAB, s21;
	_ =	sdelay $0x1  }
0x83: {  	s22 =	sshrl.u32 s22, $0x1  }
0x84: {  	s22 =	smul.u32 $0x3, s22;
	_ =	sdelay $0x1  }
0x85: {  	s21 =	ssub.s32 s21, s22  }
0x86: {  	_ =	swait.ge [sflag:s7], $0x3E80;
	s25 =	smul.u32 $0x1F40, s21  }
0x87: {  	p1 =	sne.s32 s19, $0x33;
	[sflag:s7] =	ssyncset.done $0x0  }
0x88: {  	[sflag:s7] =	ssyncadd.s32 $0xFFFFC180;
	s21 =	sadd.s32 @!p1 $0x203F, s25  }
0x89: {  	[spmem:s10] =	stream.linear.scatter @!p1 [tilespmem:s21], [sflag:$0x1], $0x1, $0x38;
	[tilespmem:$0x11A60] =	vst v63  }
0x8a: {  	s21 =	simm.s32 @!p1 $0x1  }
0x8b: {  	_ =	swait.ge @!p1 [sflag:s21], $0x1  }
0x8c: {  	s26 =	sshll.u32 s19, $0x4;
	[sflag:s21] =	ssyncset.done @!p1 $0x0  }
0x8d: {  	[sflag:s21] =	ssyncadd.s32 @!p1 $0xFFFFFFFF;
	s21 =	sand.u32 $0x10, s26  }
0x8e: {  	v4 =	vld [tilespmem:s21+$0x10];
	s26 =	sxor.u32 $0x10, s21  }
0x8f: {  	v5 =	vld [tilespmem:s26+$0x60]  }
0x90: {  	v3 =	vld [tilespmem:$0x80];
	_ =	sdelay $0x2  }
0x91: {  	(v2sf) =	vpush v4, $0x0  }
0x92: {  	(v2sf) =	vpush v5, $0x0  }
0x93: {  	(v2sf) =	vpush v3, $0x0;
	_ =	sdelay $0xc  }
0x94: {  	s22 =	spop (v2sf)  }
0x95: {  	s24 =	spop (v2sf)  }
0x96: {  	s23 =	spop (v2sf)  }
0x97: {  	p3 =	seq.s32 s22, s24;
	p2 =	seq.s32 s23, s22  }
0x98: {  	p2 =	por p3, p2  }
0x99: {  	s22 =	sand.u32 $0x1, s19;
	v4 =	vpsel p2, $0xFFFFFFFF, v4  }
0x9a: {  	s24 =	smul.u32 $0x1F40, s22;
	[tilespmem:s21+$0x10] =	vst.msk $0x1, v4  }
0x9b: {  	v4 =	vld [tilespmem:$0x30]  }
0x9c: {  	v5 =	vld [tilespmem:s24+$0x9D40]  }
0x9d: {  	v6 =	vld [tilespmem:s21+$0x40];
	_ =	sdelay $0x3  }
0x9e: {  	vm4 =	vmmov vm1;
	vm6 =	vmmov vm2;
	vm5 =	vgt.s32 v4, v5  }
0x9f: {  	vm4 =	vmmov @p3 vm2;
	s22 =	sshll.u32 s22, $0x4;
	v5 =	vsel vm5, v4, v5;
	vm5 =	vgt.s32 v4, v6  }
0xa0: {  	vm6 =	vmmov @p2 vm1;
	s22 =	sor.u32 $0x11A40, s22;
	v4 =	vsel vm5, v4, v6;
	[tilespmem:s24+$0x9D40] =	vst.msk vm4, v5  }
0xa1: {  	[tilespmem:s22+$0x0] =	vst.msk vm6, v4  }
0xa2: {  	v4 =	vld [tilespmem:s24+$0x7DF0];
	_ =	sdelay $0x4  }
0xa3: {  	v4 =	vshift.insert v4, v1, s17  }
0xa4: {  	s28 =	sor.u32 $0x40, s26  }
0xa5: {  	v5 =	vimm.s32 $0x80000000;
	[tilespmem:s28+$0x0] =	vst.msk $0x1, v4  }
0xa6: {  	[tilespmem:s24+$0x7DFF] =	vst.msk $0x1, v5  }
0xa7: {  	v4 =	vld [tilespmem:s25+$0x2030];
	_ =	sdelay $0x1  }
0xa8: {  	s25 =	simm.s32 $0x1  }
0xa9: {  	s28 =	smulhi.u32 $0xAAAAAAAB, s16;
	s25 =	simm.s32 @!p0 $0x0  }
0xaa: {  	s25 =	smul.u32 $0x7D00, s25  }
0xab: {  	s28 =	sshrl.u32 s28, $0x1;
	v4 =	vshift.insert v4, v1, s17  }
0xac: {  	s28 =	smul.u32 $0xFFFE8900, s28;
	s25 =	sshrl.u32 s25, $0x2  }
0xad: {  	s29 =	sadd.s32 $0x9D40, s25;
	[tilespmem:s26+$0x10] =	vst.msk $0x1, v4  }
0xae: {  	s26 =	sshra.s32 s28, $0x2;
	v6 =	vld [tilespmem:s29+$0x0]  }
0xaf: {  	s30 =	sadd.s32 s26, s15  }
0xb0: {  	v7 =	vld [tilespmem:s30+$0x0];
	_ =	sdelay $0x2  }
0xb1: {  	vm4 =	vgt.s32 v6, v5  }
0xb2: {  	v5 =	vsel vm4, v6, v5  }
0xb3: {  	vm4 =	vne.s32 v7, $0xFFFFFFFF;
	v5 =	vxor.u32 $0x80000000, v5  }
0xb4: {  	(xrf0) =	vmax.seg.scan.u32 vm4, v5  }
0xb5: {  	s31 =	sadd.s32 $0x5EC0, s25  }
0xb6: {  	v8 =	vld [tilespmem:s31+$0x0]  }
0xb7: {  	v6 =	vld [tilespmem:$0xA0];
	_ =	sdelay $0x2  }
0xb8: {  	v5 =	vperm.xlane v4, v1;
	v9, _, _ =	vpop (xrf0)  }
0xb9: {  	vm6 =	veq.s32 v7, v3;
	v9 =	vxor.u32 $0x80000000, v9  }
0xba: {  	vm8 =	veq.s32 v7, v5;
	vm5 =	veq.s32 v6, $0x1;
	vm7 =	vgt.s32 v9, v8  }
0xbb: {  	vm8 =	vmor vm8, vm6;
	v6 =	vsel vm7, v9, v8;
	vm7 =	vgt.u32 v7, $0xFFFFFFFD  }
0xbc: {  	v10 =	vld [tilespmem:$0x90];
	vm9 =	vmand vm4, vm3;
	vm4 =	vmor vm5, vm6;
	vm5 =	vmor vm8, vm7  }
0xbd: {  	v8 =	vsel vm5, $0xFFFFFFFF, v7;
	_ =	sdelay $0x1  }
0xbe: {  	s25 =	sadd.s32 $0xDBC0, s25  }
0xbf: {  	s28 =	sadd.s32 $0x10, s29;
	s26 =	simm.s32 $0x0;
	s31 =	sadd.s32 $0x10, s31;
	v11 =	vsel vm9, $0x80000000, v9;
	v6 =	vsel vm6, v9, v6  }
0xc0: {  	s29 =	sadd.s32 $0x10, s30;
	s30 =	sadd.s32 $0x10, s25;
	[tilespmem:s25+$0x0] =	vst v6;
	v6 =	vsel vm6, v9, v10;
	v7 =	vshift.insert v11, v0, s17;
	(ifvalue) =	ssetifvalue $0xFFFFFFFF  }
.LBB2_7:
0xc1: {  	[hbm4b:s1+s13] =	stream.indirect_vreg.scatter [tilespmem:s25], [sflag:$0x2], $0x1, v8, vm0, $0x4038;
	[tilespmem:$0x11A60] =	vst v63  }
0xc2: {  	s26 =	sadd.s32 $0x10, s26;
	s25 =	smov.u32 s30;
	v8 =	vld [tilespmem:s28+$0x0]  }
0xc3: {  	p2 =	slt.u32 s26, $0x1F30  }
0xc4: {  	v9 =	vld [tilespmem:s29+$0x0];
	_ =	sdelay $0x2  }
0xc5: {  	vm5 =	vgt.s32 v8, v7  }
0xc6: {  	v7 =	vsel vm5, v8, v7  }
0xc7: {  	vm5 =	vne.s32 v9, $0xFFFFFFFF;
	v7 =	vxor.u32 $0x80000000, v7  }
0xc8: {  	(xrf0) =	vmax.seg.scan.u32 vm5, v7;
	_ =	sdelay $0x2  }
0xc9: {  	v7 =	vld [tilespmem:s31+$0x0];
	_ =	sdelay $0x1  }
0xca: {  	vm6 =	veq.s32 v9, v3;
	vm7 =	veq.s32 v9, v5  }
0xcb: {  	vm8 =	vgt.u32 v9, $0xFFFFFFFD;
	vm4 =	vmor vm4, vm6;
	vm7 =	vmor vm7, vm6;
	v8, _, _ =	vpop (xrf0)  }
0xcc: {  	vm5 =	vmand vm5, vm3;
	vm7 =	vmor vm7, vm8;
	v10 =	vxor.u32 $0x80000000, v8  }
.Ltmp5:
0xcd: {  	v8 =	vsel vm7, $0xFFFFFFFF, v9;
	vm7 =	vgt.s32 v10, v7;
	v9 =	vsel vm5, $0x80000000, v10;
	(pc) =	sbr.rel @p2 .LBB2_7-.Ltmp5, $4  }
0xce: {  	v6 =	vsel vm6, v10, v6;
	v11 =	vsel vm7, v10, v7;
	v7 =	vshift.insert v9, v0, s17  }
0xcf: {  	v9 =	vsel vm6, v10, v11  }
0xd0: {  	s28 =	sadd.s32 $0x10, s28;
	s29 =	sadd.s32 $0x10, s29;
	[tilespmem:s30+$0x0] =	vst v9  }
0xd1: {  	s31 =	sadd.s32 $0x10, s31;
	s30 =	sadd.s32 $0x10, s30;
	(ifvalue) =	ssetifvalue $0xFFFFFFFF  }
.Ltmp6:
0xd2: {  	_ = 	snop;
	(pc) =	sbr.rel .LBB2_8-.Ltmp6, $1  }
0xd3: {  	_ =	sdelay $0x3  }
.LBB2_10:
0xd4: {  	_ =	sfence.sel $0x180000  }
0xd5: {  	s2 =	simm.s32 $0x7;
	[bflag:$0x0] =	sbarrier.arrive $0xFFFF  }
0xd6: {  	s26 =	simm.s32 $0x8;
	[sflag:s2] =	ssyncpa.u1 $0x1  }
0xd7: {  	s28 =	simm.s32 $0x9;
	[sflag:s26] =	ssyncpa.u1 $0x1  }
0xd8: {  	[sflag:s28] =	ssyncpa.u1 $0x1  }
0xd9: {  	_ =	sfence.stream.spmem  }
0xda: {  	s29 =	simm.s32 $0x3;
	[bflag:$0x0] =	sbarrier.arrive $0xFFFF  }
0xdb: {  	s30 =	simm.s32 $0x4;
	[sflag:s29] =	ssyncpa.u1 $0x1  }
0xdc: {  	s31 =	simm.s32 $0x3C;
	[sflag:s30] =	ssyncpa.u1 $0x1  }
0xdd: {  	p0 =	sne.s32 s4, $0x0;
	[sflag:s31] =	ssyncpa.u1 $0x1  }
0xde: {  	s0 =	simm.s32 @p0 $0x1;
	_ =	sfence @p0  }
0xdf: {  	[sflag:s0] =	ssyncpa.u1 @p0 $0x1;
	s0 =	simm.s32 @p0 $0x2  }
0xe0: {  	[sflag:s0] =	ssyncpa.u1 @p0 $0x1  }
0xe1: {  	_ =	strace @p0 $0x9000004A  }
0xe2: {  	[bflag:$0x2] =	sbarrier.arrive @p0 $0xFFFF  }
0xe3: {  	_ =	shalt @p0  }
.LBB2_11:
0xe4: {  	_ =	sfence.stream.spmem;
	s3 =	simm.s32 $0x5  }
0xe5: {  	s2 =	simm.s32 $0x80;
	s4 =	simm.s32 $0xC0;
	[sflag:s3] =	ssyncpa.u1 $0x0  }
0xe6: {  	[tilespmem:s4], [sflag:$0x5] =	stream.linear.gather [spmem:s2], $0x20, $0x38;
	[tilespmem:$0x11A60] =	vst v63  }
0xe7: {  	s30 =	simm.s32 $0xE0;
	s2 =	simm.s32 $0x0  }
0xe8: {  	[tilespmem:s30], [sflag:$0x5] =	stream.linear.gather [spmem:s2], $0x20, $0x38;
	[tilespmem:$0x11A60] =	vst v63  }
.Ltmp7:
0xe9: {  	_ = 	snop;
	(pc) =	sbr.rel .LBB2_12-.Ltmp7, $4  }
0xea: {  	_ =	swait.ge [sflag:s3], $0x40  }
0xeb: {  	[sflag:s3] =	ssyncset.done $0x0  }
0xec: {  	s31 =	simm.s32 $0x6;
	[sflag:s3] =	ssyncadd.s32 $0xFFFFFFC0  }
0xed: {  	s3 =	simm.s32 $0x0;
	[sflag:s31] =	ssyncpa.u1 $0x0  }
.LBB2_17:
0xee: {  	p0 =	sgt.u32 s4, $0x187FF  }
0xef: {  	s5 =	sshrl.u32 @!p0 s4, $0x3  }
0xf0: {  	s4 =	sand.u32 @!p0 $0x7, s4;
	s6 =	simm.s32 @!p0 $0xB0;
	s5 =	sadd.s32 @!p0 s1, s5  }
0xf1: {  	[tilespmem:s6], [sflag:$0x6] =	stream.linear.gather @!p0 [hbm4b:s5+s4], $0x1, $0x38;
	[tilespmem:$0x11A60] =	vst v63  }
0xf2: {  	s4 =	simm.s32 @!p0 $0x6  }
0xf3: {  	_ =	swait.ge @!p0 [sflag:s4], $0x1  }
0xf4: {  	[sflag:s4] =	ssyncset.done @!p0 $0x0  }
0xf5: {  	[sflag:s4] =	ssyncadd.s32 @!p0 $0xFFFFFFFF  }
0xf6: {  	v1 =	vld.msk @!p0 [tilespmem:$0xB0], $0x1  }
0xf7: {  	v2 =	vld.msk @!p0 [tilespmem:s3+$0xE0], $0x1;
	_ =	sdelay $0x4  }
0xf8: {  	vm0 =	vgt.s32 @!p0 v2, v1  }
0xf9: {  	v1 =	vsel @!p0 vm0, v2, v1  }
0xfa: {  	[tilespmem:s3+$0xE0] =	vst.msk @!p0 $0x1, v1  }
0xfb: {  	[tilespmem:s2+$0xC0] =	vst.msk $0x1, v0  }
0xfc: {  	v0 =	vld.msk [tilespmem:s3+$0xE0], $0x1;
	_ =	sdelay $0x4  }
0xfd: {  	[tilespmem:s2+$0xE0] =	vst.msk $0x1, v0;
	s2 =	sadd.s32 $0x1, s2  }
.LBB2_19:
0xfe: {  	s3 =	sadd.s32 $0x1, s3  }
0xff: {  	p0 =	sne.s32 s3, $0x20  }
.Ltmp8:
0x100: {  	_ = 	snop;
	(pc) =	sbr.rel @!p0 .LBB2_20-.Ltmp8, $1  }
0x101: {  	_ =	sdelay $0x3  }
.LBB2_12:
0x102: {  	v0 =	vld.msk [tilespmem:s3+$0xC0], $0x1;
	_ =	sdelay $0x4  }
0x103: {  	(v2sf) =	vpush v0, $0x0;
	_ =	sdelay $0xe  }
0x104: {  	s4 =	spop (v2sf)  }
0x105: {  	p0 =	seq.s32 s4, $0xFFFFFFFF  }
.Ltmp9:
0x106: {  	_ = 	snop;
	(pc) =	sbr.rel @p0 .LBB2_19-.Ltmp9, $1  }
0x107: {  	_ =	sdelay $0x3  }
0x108: {  	p0 =	slt.s32 s2, $0x1  }
.Ltmp10:
0x109: {  	_ = 	snop;
	(pc) =	sbr.rel @p0 .LBB2_17-.Ltmp10, $1  }
0x10a: {  	_ =	sdelay $0x3  }
0x10b: {  	s5 =	simm.s32 $0xC0;
	p0 =	por $0x0, $0x0  }
0x10c: {  	v1 =	vld.msk @!p0 [tilespmem:s5+$0x0], $0x1;
	_ =	sdelay $0x4  }
0x10d: {  	(v2sf) =	vpush @!p0 v1, $0x0;
	_ =	sdelay $0xd  }
0x10e: {  	p2 =	sne.s32 s2, $0x1  }
.Ltmp11:
0x10f: {  	s6 =	spop @!p0 (v2sf);
	(pc) =	sbr.rel @!p2 .LBB2_16-.Ltmp11, $4  }
0x110: {  	p1 =	seq.s32 @!p0 s4, s6  }
0x111: {  	s6 =	simm.s32 $0x0;
	p1 =	por !p1, p0  }
0x112: {  	s8 =	simm.s32 $0xFFFFFFFF;
	s6 =	simm.s32 @p1 $0xFFFFFFFF  }
0x113: {  	s7 =	simm.s32 $0x1;
	s6 =	smov.u32 @p0 s8  }
.LBB2_15:
0x114: {  	s8 =	smov.u32 s6;
	p0 =	sne.s32 s6, $0xFFFFFFFF  }
0x115: {  	s5 =	sadd.s32 $0x1, s5;
	s6 =	smov.u32 s7;
	s7 =	sadd.s32 $0x1, s7  }
0x116: {  	p1 =	sne.s32 s2, s7;
	v1 =	vld.msk @!p0 [tilespmem:s5+$0x0], $0x1;
	_ =	sdelay $0x4  }
0x117: {  	(v2sf) =	vpush @!p0 v1, $0x0;
	_ =	sdelay $0xe  }
.Ltmp12:
0x118: {  	s9 =	spop @!p0 (v2sf);
	(pc) =	sbr.rel @p1 .LBB2_15-.Ltmp12, $4  }
0x119: {  	p2 =	seq.s32 @!p0 s4, s9  }
0x11a: {  	p2 =	por !p2, p0  }
0x11b: {  	s6 =	simm.s32 @p2 $0xFFFFFFFF  }
0x11c: {  	s6 =	smov.u32 @p0 s8  }
.LBB2_16:
0x11d: {  	p0 =	sne.s32 s6, $0xFFFFFFFF  }
.Ltmp13:
0x11e: {  	_ = 	snop;
	(pc) =	sbr.rel @!p0 .LBB2_17-.Ltmp13, $1  }
0x11f: {  	_ =	sdelay $0x3  }
0x120: {  	v0 =	vld.msk [tilespmem:s3+$0xE0], $0x1  }
0x121: {  	v1 =	vld.msk [tilespmem:s6+$0xE0], $0x1;
	_ =	sdelay $0x2  }
.Ltmp14:
0x122: {  	_ = 	snop;
	(pc) =	sbr.rel .LBB2_19-.Ltmp14, $4  }
0x123: {  	_ = 	snop  }
0x124: {  	vm0 =	vgt.s32 v1, v0  }
0x125: {  	v0 =	vsel vm0, v1, v0  }
0x126: {  	[tilespmem:s6+$0xE0] =	vst.msk $0x1, v0  }
.LBB2_20:
0x127: {  	p0 =	slt.s32 s2, $0x1  }
.Ltmp15:
0x128: {  	_ = 	snop;
	(pc) =	sbr.rel @p0 .LBB2_24-.Ltmp15, $3  }
0x129: {  	_ =	sdelay $0x1  }
0x12a: {  	s3 =	simm.s32 $0x6  }
0x12b: {  	[sflag:s3] =	ssyncpa.u1 $0x1;
	s3 =	simm.s32 $0x0  }
0x12c: {  	s4 =	simm.s32 $0xC0  }
0x12d: {  	v0 =	vld.msk [tilespmem:s4+$0x0], $0x1;
	_ =	sdelay $0x4  }
0x12e: {  	(v2sf) =	vpush v0, $0x0;
	_ =	sdelay $0xe  }
0x12f: {  	s2 =	sadd.s32 $0xFFFFFFFF, s2;
	s5 =	spop (v2sf)  }
0x130: {  	p1 =	sne.s32 s2, $0x0;
	p0 =	sgt.u32 s5, $0x187FF  }
.Ltmp16:
0x131: {  	s6 =	sshrl.u32 @!p0 s5, $0x3;
	(pc) =	sbr.rel @!p1 .LBB2_23-.Ltmp16, $4  }
0x132: {  	s4 =	simm.s32 $0xE0;
	s5 =	sand.u32 @!p0 $0x7, s5;
	s6 =	sadd.s32 @!p0 s1, s6  }
0x133: {  	[hbm4b:s6+s5] =	stream.linear.scatter @!p0 [tilespmem:s4], [sflag:$0x5], $0x1, $0x38;
	[tilespmem:$0x11A60] =	vst v63  }
0x134: {  	s6 =	simm.s32 $0x0  }
0x135: {  	s5 =	simm.s32 $0xC1;
	s6 =	simm.s32 @!p0 $0x4  }
.LBB2_22:
0x136: {  	v0 =	vld.msk [tilespmem:s5+$0x0], $0x1;
	s2 =	sadd.s32 $0xFFFFFFFF, s2;
	s3 =	sadd.s32 s3, s6  }
0x137: {  	p0 =	sne.s32 s2, $0x0;
	_ =	sdelay $0x3  }
0x138: {  	(v2sf) =	vpush v0, $0x0;
	_ =	sdelay $0xe  }
.Ltmp17:
0x139: {  	s7 =	spop (v2sf);
	(pc) =	sbr.rel @p0 .LBB2_22-.Ltmp17, $4  }
0x13a: {  	s6 =	simm.s32 $0x0;
	p1 =	sgt.u32 s7, $0x187FF  }
0x13b: {  	s4 =	sadd.s32 $0x1, s4;
	s6 =	simm.s32 @!p1 $0x4;
	s8 =	sshrl.u32 @!p1 s7, $0x3  }
0x13c: {  	s5 =	sadd.s32 $0x1, s5;
	s7 =	sand.u32 @!p1 $0x7, s7;
	s8 =	sadd.s32 @!p1 s1, s8  }
0x13d: {  	[hbm4b:s8+s7] =	stream.linear.scatter @!p1 [tilespmem:s4], [sflag:$0x5], $0x1, $0x38;
	[tilespmem:$0x11A60] =	vst v63  }
.LBB2_23:
0x13e: {  	s1 =	sadd.s32 s3, s6  }
0x13f: {  	s3 =	sshrl.u32 s1, $0x2  }
.LBB2_24:
0x140: {  	s1 =	simm.s32 $0x5  }
0x141: {  	_ =	swait.ge [sflag:s1], s3  }
0x142: {  	s2 =	ssub.s32 $0x0, s3;
	[sflag:s1] =	ssyncset.done $0x0  }
0x143: {  	[sflag:s1] =	ssyncadd.s32 s2  }
0x144: {  	[sflag:s1] =	ssyncpa.u1 $0x1  }
0x145: {  	s30 =	simm.s32 $0x1;
	_ =	sfence  }
0x146: {  	s31 =	simm.s32 $0x2;
	[sflag:s30] =	ssyncpa.u1 $0x1  }
0x147: {  	[sflag:s31] =	ssyncpa.u1 $0x1  }
0x148: {  	_ =	strace $0x9000004A  }
0x149: {  	s0 =	sadd.s32 $0x100000, s0;
	[bflag:$0x2] =	sbarrier.arrive $0xFFFF  }
0x14a: {  	[sflag:s0] =	ssyncadd.tile.s32 $0x1;
	_ =	shalt  }
.Lfunc_end2:
_tile_overlayer_lowered:
.L_overlay_start_2:
0x14b: {  	(tag) =	ssettag $0x2  }
0x14c: {  	s0 =	rddreg [dreg:$0x0];
	s2 =	stileid.u32  }
0x14d: {  	s1 =	rddreg [dreg:$0x1];
	p0 =	sne.s32 s2, $0x0  }
0x14e: {  	s3 =	rddreg [dreg:$0x2];
	[bflag:$0x3] =	sbarrier.arrive $0xFFFF;
	s2 =	simm.s32 @!p0 $0x1C01  }
0x14f: {  	[timem:s3], [sflag:s2] =	dma.local @!p0 [hbm:s0], s1  }
0x150: {  	s0 =	simm.s32 @!p0 $0x1  }
0x151: {  	_ =	swait.ge @!p0 [sflag:s0], s1  }
0x152: {  	s1 =	ssub.s32 @!p0 $0x0, s1;
	[sflag:s0] =	ssyncset.done @!p0 $0x0  }
0x153: {  	[sflag:s0] =	ssyncadd.s32 @!p0 s1  }
0x154: {  	[bflag:$0x3] =	sbarrier.arrive $0xFFFF  }
0x155: {  	_ =	shalt  }

// kernel: scatter_offload_async_start
scs
__scs_entry_jumppad:
0x0: {  	(pc) =	sbr.rel $0x88, $3  }
0x1: {  	(tag) =	ssettag $0x0;
	lr =	simm.s32 $0x1  }
0x2: {  	[smem:$0x3F9F] =	sst lr;
	_ =	strace $0xD0000000  }
0x3: {  	_ = 	snop  }
0x4: {  	_ = 	snop  }
0x5: {  	_ = 	snop  }
0x6: {  	_ = 	snop  }
0x7: {  	_ = 	snop  }
__scs_overlays_trampoline_lowered:
0x8: {  	[smem:$0x3FAE] =	sst s0  }
0x9: {  	[smem:$0x3FAF] =	sst s1  }
0xa: {  	[smem:$0x3FB0] =	sst s2  }
0xb: {  	[smem:$0x3FB1] =	sst s3  }
0xc: {  	[smem:$0x3FB2] =	sst s4  }
0xd: {  	[smem:$0x3FB3] =	sst s5  }
0xe: {  	[smem:$0x3FB4] =	sst s6  }
0xf: {  	[smem:$0x3FB5] =	sst s7  }
0x10: {  	[smem:$0x3FB6] =	sst s8  }
0x11: {  	[smem:$0x3FB7] =	sst s9;
	s0 =	simm.s32 @!p0 $0x0  }
0x12: {  	s1 =	sld [smem:$0x3F9D];
	s0 =	simm.s32 @p0 $0x1  }
0x13: {  	[smem:$0x3FB8] =	sst s0;
	s0 =	simm.s32 @!p1 $0x0  }
0x14: {  	s2 =	sld [smem:$0x3F9C];
	s0 =	simm.s32 @p1 $0x1  }
0x15: {  	[smem:$0x3FB9] =	sst s0;
	s0 =	simm.s32 @!p2 $0x0  }
0x16: {  	s3 =	sld [smem:$0x3FDB];
	s0 =	simm.s32 @p2 $0x1  }
0x17: {  	s4 =	simm.s32 $0x1BF5;
	[smem:$0x3FBB] =	sst s0  }
0x18: {  	s0 =	sld [smem:$0x3F9E];
	_ =	swait.ge [sflag:s4], $0x0  }
0x19: {  	s7 =	sld [smem:$0x3F9F]  }
0x1a: {  	s8 =	sadd.s32 $0xFFFFE003, lr  }
0x1b: {  	s9 =	sadd.s32 $0xFFFFFEF7, lr;
	s5 =	simm.s32 $0xFFFFFFFF;
	p2 =	slt.u32 s8, $0xFFFFF086  }
0x1c: {  	p1 =	slt.u32 s9, $0xF7A;
	s5 =	simm.s32 @!p2 $0x0  }
0x1d: {  	s5 =	simm.s32 @p1 $0x1;
	p0 =	seq.s32 s7, s2  }
0x1e: {  	s7 =	smul.u32 @!p0 $0xF7A, s2;
	p2 =	seq.s32 @!p0 s5, $0x0  }
0x1f: {  	s9 =	smul.u32 $0xF7A, s1;
	s8 =	simm.s32 @!p0 $0x1BF5;
	p2 =	por !p2, p0  }
0x20: {  	[sflag:s8] =	ssyncset.s32 @!p0 $0xFFFFF086;
	s6 =	sadd.s32 @!p0 s3, s7;
	s7 =	simm.s32 @!p0 $0x108  }
0x21: {  	s3 =	sadd.s32 s3, s9;
	s6 =	sadd.s32 @!p0 $0x88, s6;
	s7 =	simm.s32 @p2 $0x1082  }
0x22: {  	[simem:s7], [sflag:s8] =	dma.local @!p0 [hbm:s6], $0xF7A  }
0x23: {  	s9 =	sor.u32 $0xD0000000, s2;
	s6 =	simm.s32 $0x108;
	_ =	swait.ge @!p0 [sflag:s8], $0x0  }
0x24: {  	s3 =	sadd.s32 $0x88, s3;
	s6 =	simm.s32 @!p1 $0x1082;
	[sflag:s4] =	ssyncset.s32 $0xFFFFF086  }
0x25: {  	[simem:s6], [sflag:s4] =	dma.local [hbm:s3], $0xF7A  }
0x26: {  	[smem:$0x3F9F] =	sst s1;
	(tag) =	ssettag s2;
	_ =	strace s9  }
0x27: {  	s1 =	sld [smem:$0x3FAF]  }
0x28: {  	s2 =	sld [smem:$0x3FB0]  }
0x29: {  	s4 =	sld [smem:$0x3FB2]  }
0x2a: {  	p0 =	seq.s32 s5, $0x0;
	s5 =	sld [smem:$0x3FB3]  }
0x2b: {  	s6 =	sld [smem:$0x3FB4]  }
0x2c: {  	s7 =	sld [smem:$0x3FB5]  }
0x2d: {  	s3 =	simm.s32 $0x108;
	s8 =	sld [smem:$0x3FB6]  }
0x2e: {  	s3 =	simm.s32 @!p0 $0x1082;
	s9 =	sld [smem:$0x3FB7]  }
0x2f: {  	lr =	sadd.s32 s0, s3;
	s0 =	sld [smem:$0x3FAE]  }
0x30: {  	s3 =	sld [smem:$0x3FB1]  }
0x31: {  	[smem:$0x3FBA] =	sst s10  }
0x32: {  	s10 =	sld [smem:$0x3FB8];
	_ =	sdelay $0x3  }
0x33: {  	p0 =	seq.s32 s10, $0x1;
	s10 =	sld [smem:$0x3FBA];
	_ =	sdelay $0x3  }
0x34: {  	[smem:$0x3FBA] =	sst s10  }
0x35: {  	s10 =	sld [smem:$0x3FB9];
	_ =	sdelay $0x3  }
0x36: {  	p1 =	seq.s32 s10, $0x1;
	s10 =	sld [smem:$0x3FBA];
	_ =	sdelay $0x3  }
0x37: {  	[smem:$0x3FBA] =	sst s10  }
0x38: {  	s10 =	sld [smem:$0x3FBB]  }
0x39: {  	_ = 	snop;
	(pc) =	sbr.ind lr, $3  }
0x3a: {  	_ = 	snop  }
0x3b: {  	_ = 	snop  }
0x3c: {  	p2 =	seq.s32 s10, $0x1;
	s10 =	sld [smem:$0x3FBA]  }
0x3d: {  	_ =	shalt  }
0x3e: {  	_ =	shalt  }
0x3f: {  	_ =	shalt  }
0x40: {  	_ =	shalt  }
0x41: {  	_ =	shalt  }
0x42: {  	_ =	shalt  }
0x43: {  	_ =	shalt  }
0x44: {  	_ =	shalt  }
0x45: {  	_ =	shalt  }
0x46: {  	_ =	shalt  }
0x47: {  	_ =	shalt  }
0x48: {  	_ =	shalt  }
0x49: {  	_ =	shalt  }
0x4a: {  	_ =	shalt  }
0x4b: {  	_ =	shalt  }
0x4c: {  	_ =	shalt  }
0x4d: {  	_ =	shalt  }
0x4e: {  	_ =	shalt  }
0x4f: {  	_ =	shalt  }
0x50: {  	_ =	shalt  }
0x51: {  	_ =	shalt  }
0x52: {  	_ =	shalt  }
0x53: {  	_ =	shalt  }
0x54: {  	_ =	shalt  }
0x55: {  	_ =	shalt  }
0x56: {  	_ =	shalt  }
0x57: {  	_ =	shalt  }
0x58: {  	_ =	shalt  }
0x59: {  	_ =	shalt  }
0x5a: {  	_ =	shalt  }
0x5b: {  	_ =	shalt  }
0x5c: {  	_ =	shalt  }
0x5d: {  	_ =	shalt  }
0x5e: {  	_ =	shalt  }
0x5f: {  	_ =	shalt  }
0x60: {  	_ =	shalt  }
0x61: {  	_ =	shalt  }
0x62: {  	_ =	shalt  }
0x63: {  	_ =	shalt  }
0x64: {  	_ =	shalt  }
0x65: {  	_ =	shalt  }
0x66: {  	_ =	shalt  }
0x67: {  	_ =	shalt  }
0x68: {  	_ =	shalt  }
0x69: {  	_ =	shalt  }
0x6a: {  	_ =	shalt  }
0x6b: {  	_ =	shalt  }
0x6c: {  	_ =	shalt  }
0x6d: {  	_ =	shalt  }
0x6e: {  	_ =	shalt  }
0x6f: {  	_ =	shalt  }
0x70: {  	_ =	shalt  }
0x71: {  	_ =	shalt  }
0x72: {  	_ =	shalt  }
0x73: {  	_ =	shalt  }
0x74: {  	_ =	shalt  }
0x75: {  	_ =	shalt  }
0x76: {  	_ =	shalt  }
0x77: {  	_ =	shalt  }
0x78: {  	_ =	shalt  }
0x79: {  	_ =	shalt  }
0x7a: {  	_ =	shalt  }
0x7b: {  	_ =	shalt  }
0x7c: {  	_ =	shalt  }
0x7d: {  	_ =	shalt  }
0x7e: {  	_ =	shalt  }
0x7f: {  	_ =	shalt  }
0x80: {  	_ =	shalt  }
0x81: {  	_ =	shalt  }
0x82: {  	_ =	shalt  }
0x83: {  	_ =	shalt  }
0x84: {  	_ =	shalt  }
0x85: {  	_ =	shalt  }
0x86: {  	_ =	shalt  }
0x87: {  	_ =	shalt  }
.Lfunc_end0:
.L_simem_size_0:
called_computation_lowered:
.L_overlay_start_0:
0x88: {  	s0 =	sld [smem:$0x3FD9]  }
0x89: {  	s1 =	sld [smem:$0x3FFE];
	_ =	sdelay $0x3  }
0x8a: {  	s0 =	sadd.s32 s1, s0  }
0x8b: {  	[smem:$0x3FC6] =	sst s0  }
0x8c: {  	_ = 	snop  }
0x8d: {  	s0 =	sld [smem:$0x3FC9]  }
0x8e: {  	s16 =	sld [smem:$0x3FC8];
	(tm) =	ssettm $0x1  }
0x8f: {  	s2 =	sld [smem:$0x3FFB];
	_ =	sdelay $0x3  }
0x90: {  	_ =	strace s2  }
0x91: {  	s2 =	sld [smem:$0x3FFC];
	_ =	sdelay $0x3  }
0x92: {  	_ =	strace s2  }
0x93: {  	s2 =	sld [smem:$0x3FFD];
	_ =	sdelay $0x3  }
0x94: {  	_ =	strace s2  }
0x95: {  	_ =	strace $0x8FFFFFFF  }
0x96: {  	s17 =	sld [smem:$0x3FDB];
	_ =	sdelay $0x1  }
0x97: {  	s3 =	simm.s32 $_scs_section_size  }
0x98: {  	s4 =	simm.s32 $_size__tile_overlayer_lowered;
	s5 =	simm.s32 $_tile_overlayer_lowered  }
0x99: {  	s20 =	simm.s32 $0x1BFF;
	s19 =	sshll.u32 s5, $0x1;
	s2 =	sadd.s32 s3, s17  }
0x9a: {  	s6 =	simm.s32 $0x0;
	s18 =	sshll.u32 s4, $0x1;
	s4 =	sadd.s32 s19, s2  }
0x9b: {  	[timem:s6], [sflag:s20] =	dma.local [hbm:s4], s18  }
0x9c: {  	_ =	swait.ge [sflag:s20], s18  }
0x9d: {  	s3 =	ssub.s32 $0x0, s18;
	[sflag:s20] =	ssyncset.done $0x0  }
0x9e: {  	[sflag:s20] =	ssyncadd.s32 s3;
	_ =	sdelay $0x1  }
0x9f: {  	s21 =	simm.s32 $0x1B8B  }
0xa0: {  	_ =	swait.ge [sflag:s21], $0x1  }
0xa1: {  	[sflag:s21] =	ssyncset.done $0x0  }
0xa2: {  	s23 =	simm.s32 $0x1B8E;
	s22 =	sld [smem:$0x3FFE];
	[sflag:s21] =	ssyncadd.s32 $0xFFFFFFFF  }
0xa3: {  	s24 =	simm.s32 $execute0_lowered;
	[smem:$0x3FD2] =	sst s23  }
0xa4: {  	s4 =	sshll.u32 s24, $0x1;
	_ =	strace $0x80000046;
	[dreg:$0x1] =	wrdreg $0xFFFFFFFF  }
0xa5: {  	s25 =	simm.s32 $_size_execute0_lowered;
	s2 =	sadd.s32 s2, s4;
	[dreg:$0x0] =	wrdreg $0x0  }
0xa6: {  	s4 =	sshll.u32 s25, $0x1;
	[dreg:$0x2] =	wrdreg s2  }
0xa7: {  	[dreg:$0x3] =	wrdreg s4  }
0xa8: {  	[dreg:$0x4] =	wrdreg $0xC0  }
0xa9: {  	_ =	task [dreg:s6], $0x5FFFF  }
0xaa: {  	[dreg:$0x1] =	wrdreg $0xFFFFFFFF  }
0xab: {  	[dreg:$0x0] =	wrdreg $0x60  }
0xac: {  	[dreg:$0x2] =	wrdreg s22  }
0xad: {  	[dreg:$0x3] =	wrdreg s16  }
0xae: {  	[dreg:$0x4] =	wrdreg s0  }
0xaf: {  	[dreg:$0x5] =	wrdreg $0x9  }
0xb0: {  	_ =	task.clear_ibuf [dreg:s6], $0x6FFFF;
	_ =	strace $0x90000046  }
0xb1: {  	s26 =	simm.s32 $0x9;
	_ =	strace $0x80000048  }
0xb2: {  	_ =	swait.ge [sflag:s26], $0x1  }
0xb3: {  	[sflag:s26] =	ssyncadd.s32 $0xFFFFFFFF  }
0xb4: {  	_ =	strace $0x90000048  }
0xb5: {  	_ =	sfence  }
0xb6: {  	s28 =	sld [smem:$0x0];
	_ =	sdelay $0x1  }
0xb7: {  	s29 =	srdreg.scid  }
0xb8: {  	s30 =	sshll.u32 s29, $0xD;
	s31 =	sshrl.u32 s29, $0x2  }
0xb9: {  	s1 =	sand.u32 $0x1, s29;
	s2 =	sand.u32 $0x4000, s30;
	s0 =	sadd.s32 s31, s28  }
0xba: {  	s1 =	sor.u32 s2, s1;
	s0 =	sshll.u32 s0, $0x11  }
0xbb: {  	s0 =	sor.u32 s0, s1  }
0xbc: {  	s0 =	sadd.s32 $0x8F2B, s0  }
0xbd: {  	[sflag:s0] =	ssyncadd.remote.s32 $0x1  }
0xbe: {  	_ =	sfence.sel $0xFFFF  }
0xbf: {  	[dreg:$0x0] =	wrdreg $0xFFFFFFFF;
	(pc) =	sbr.abs _section_cstart, $3  }
0xc0: {  	[dreg:$0x1] =	wrdreg $0xFFFFFFFF  }
0xc1: {  	_ =	task.clear_ibuf [dreg:s6], $0x2FFFF;
	_ =	strace $0x9FFFFFFF  }
0xc2: {  	(tm) =	ssettm $0x7FFFFFFF  }
0xc3: {  	_ =	shalt  }
tec
execute0_lowered:
.L_overlay_start_1:
0x0: {  	(tag) =	ssettag $0x1  }
0x1: {  	s1 =	rddreg [dreg:$0x0]  }
0x2: {  	s2 =	rddreg [dreg:$0x1]  }
0x3: {  	s3 =	rddreg [dreg:$0x2]  }
0x4: {  	s0 =	rddreg [dreg:$0x3];
	_ =	strace $0x80000047;
	s4 =	simm.s32 $0x1  }
0x5: {  	v1 =	vimm.s32 $0xFFFFFFFF;
	[sflag:s4] =	ssyncpa.u1 $0x0  }
0x6: {  	[tilespmem:$0x10] =	vst v1  }
0x7: {  	v0 =	vimm.f32 $-Inf;
	[tilespmem:$0x20] =	vst v1  }
0x8: {  	[tilespmem:$0x30] =	vst v0  }
0x9: {  	[tilespmem:$0x40] =	vst v0  }
0xa: {  	[tilespmem:$0x50] =	vst v0  }
0xb: {  	[tilespmem:$0x60] =	vst v1  }
0xc: {  	s31 =	simm.s32 $0x2;
	s5 =	simm.s32 $0x7;
	s7 =	simm.s32 $0x8;
	[tilespmem:$0x70] =	vst v1  }
0xd: {  	s9 =	simm.s32 $0x9;
	s13 =	simm.s32 $0x0;
	s14 =	simm.s32 $0xFF;
	[tilespmem:$0x80] =	vst v1  }
0xe: {  	p0 =	por $0x0, $0x0;
	s15 =	simm.s32 $0xFFFFC280;
	s16 =	simm.s32 $0xFFFFFFFE;
	v1 =	vimm.s32 $0x0;
	[tilespmem:$0xB0] =	vst v0  }
0xf: {  	s17 =	simm.s32 $0xF;
	s18 =	simm.s32 $0x30;
	s21 =	simm.s32 $0x0;
	[tilespmem:$0x90] =	vst v1  }
.Ltmp0:
0x10: {  	s4 =	stileid.u32;
	[tilespmem:$0xA0] =	vst v1;
	[sflag:s31] =	ssyncpa.u1 $0x0;
	(pc) =	sbr.rel .LBB2_1-.Ltmp0, $4  }
0x11: {  	s19 =	simm.s32 $0x0;
	s6 =	smul.u32 $0x61A80, s4;
	[sflag:s5] =	ssyncpa.u1 $0x0  }
0x12: {  	s1 =	sadd.s32 $0x800, s1;
	s11 =	sshllo.u32 s4, $0x1;
	[sflag:s7] =	ssyncpa.u1 $0x0  }
0x13: {  	vm0 =	vmmov $0xffff;
	v2 =	vlaneseq.u32;
	vm1 =	vmxor vm1, vm1;
	s8 =	sadd.s32 $0x61A80, s6;
	[sflag:s9] =	ssyncpa.u1 $0x0;
	s9 =	sshll.u32 s4, $0x1  }
0x14: {  	vm2 =	vmmov $0x1;
	v3 =	vimm.f32 $0.0e+00;
	vm3 =	vcmask $0x3F3C;
	s20 =	smov.u32 s6;
	s10 =	sor.u32 $0x81, s9;
	s12 =	sor.u32 $0x80, s9  }
.LBB2_8:
0x15: {  	_ =	sdelay $0x3  }
0x16: {  	[hbm4b:s1+s13] =	stream.indirect_vreg.scatter [tilespmem:s25], [sflag:$0x2], $0x1, v9, vm0, $0x4038;
	[tilespmem:$0x11A60] =	vst v63  }
0x17: {  	v4 =	vld [tilespmem:s24+$0xFAF0];
	_ =	sdelay $0x4  }
0x18: {  	v4 =	vshift.insert v4, v3, s17;
	_ =	sdelay $0x1  }
0x19: {  	[tilespmem:s18+$0x0] =	vst.msk $0x1, v4  }
0x1a: {  	v4 =	vsel vm4, $0x1, v1;
	[tilespmem:$0x90] =	vst v7  }
0x1b: {  	s24 =	sadd.s32 @!p1 $0xFAFF, s24;
	[tilespmem:$0xA0] =	vst v4  }
0x1c: {  	[spmem:s11] =	stream.linear.scatter @!p1 [tilespmem:s24], [sflag:$0x1], $0x1, $0x38;
	[tilespmem:$0x11A60] =	vst v63  }
0x1d: {  	s24 =	simm.s32 @!p1 $0x1  }
0x1e: {  	v4 =	vmctz.xlane @!p1 vm4;
	_ =	swait.ge @!p1 [sflag:s24], $0x1  }
0x1f: {  	(v2sf) =	vpush @!p1 v5, $0x0  }
0x20: {  	(v2sf) =	vpush @!p1 v4, $0x0;
	_ =	sdelay $0xd  }
0x21: {  	s25 =	spop @!p1 (v2sf)  }
0x22: {  	s26 =	spop @!p1 (v2sf)  }
0x23: {  	p2 =	sne.s32 @!p1 s23, s25;
	p3 =	slt.s32 @!p1 s26, $0xF  }
0x24: {  	[sflag:s24] =	ssyncset.done @!p1 $0x0;
	p2 =	por p2, p1;
	p3 =	por !p3, p1  }
0x25: {  	[sflag:s24] =	ssyncadd.s32 @!p1 $0xFFFFFFFF;
	v4 =	vimm.s32 @!p2 $0xFFFFFFFF;
	s26 =	simm.s32 @p3 $0xF  }
0x26: {  	[tilespmem:$0x80] =	vst @!p2 v4;
	s23 =	sadd.s32 @!p1 $0x90, s26  }
0x27: {  	[spmem:s9] =	stream.linear.scatter @!p1 [tilespmem:s23], [sflag:$0x1], $0x1, $0x38;
	[tilespmem:$0x11A60] =	vst v63  }
0x28: {  	_ =	swait.ge @!p1 [sflag:s24], $0x1  }
0x29: {  	[sflag:s24] =	ssyncset.done @!p1 $0x0  }
0x2a: {  	s23 =	simm.s32 @!p1 $0x80;
	[sflag:s24] =	ssyncadd.s32 @!p1 $0xFFFFFFFF  }
0x2b: {  	[spmem:s12] =	stream.linear.scatter @!p1 [tilespmem:s23], [sflag:$0x1], $0x1, $0x38;
	[tilespmem:$0x11A60] =	vst v63  }
0x2c: {  	_ =	swait.ge @!p1 [sflag:s24], $0x1  }
0x2d: {  	[sflag:s24] =	ssyncset.done @!p1 $0x0  }
0x2e: {  	[sflag:s24] =	ssyncadd.s32 @!p1 $0xFFFFFFFF;
	(ifvalue) =	ssetifvalue $0xFFFFFFFF;
	v4 =	vld [tilespmem:s21+$0x10];
	_ =	sdelay $0x6  }
0x2f: {  	(ifvalue) =	ssetifvalue $0xFFFFFFFF  }
0x30: {  	[hbm4b:s1+s13] =	stream.indirect_vreg.scatter [tilespmem:s22], [sflag:$0x9], $0x1, v4, vm0, $0x4038;
	[tilespmem:$0x11A60] =	vst v63  }
.LBB2_9:
0x31: {  	p1 =	slt.u32 s19, $0x3  }
0x32: {  	s21 =	simm.s32 @!p1 $0x2  }
0x33: {  	_ =	swait.ge @!p1 [sflag:s21], $0x1F40  }
0x34: {  	[sflag:s21] =	ssyncset.done @!p1 $0x0  }
0x35: {  	[sflag:s21] =	ssyncadd.s32 @!p1 $0xFFFFE0C0;
	s21 =	simm.s32 @!p1 $0x9  }
0x36: {  	_ =	swait.ge @!p1 [sflag:s21], $0x10  }
0x37: {  	s22 =	sadd.s32 $0x1F40, s20;
	s23 =	smov.u32 s6;
	[sflag:s21] =	ssyncset.done @!p1 $0x0  }
0x38: {  	s19 =	sadd.s32 $0x1, s19;
	[sflag:s21] =	ssyncadd.s32 @!p1 $0xFFFFFFF0;
	p1 =	slt.s32 s22, s8  }
0x39: {  	s23 =	smov.u32 @p1 s22;
	p1 =	sne.s32 s19, $0x35  }
.Ltmp1:
0x3a: {  	_ = 	snop;
	(pc) =	sbr.rel @!p1 .LBB2_10-.Ltmp1, $3  }
0x3b: {  	_ =	sdelay $0x1  }
0x3c: {  	s14 =	sadd.s32 $0x1, s14;
	p0 =	por !p0, !p0;
	s15 =	sadd.s32 $0x1F40, s15  }
0x3d: {  	s16 =	sadd.s32 $0x1, s16;
	s21 =	smov.u32 s20;
	s20 =	smov.u32 s23  }
.LBB2_1:
0x3e: {  	p1 =	sgt.u32 s19, $0x31  }
0x3f: {  	s22 =	smul.u32 @!p1 $0xAB, s19;
	_ =	sdelay $0x1  }
0x40: {  	s22 =	sshrl.u32 @!p1 s22, $0x9  }
0x41: {  	s22 =	sand.u32 @!p1 $0x7F, s22  }
0x42: {  	s22 =	smul.u32 @!p1 $0x3, s22;
	_ =	sdelay $0x1  }
0x43: {  	s22 =	ssub.s32 @!p1 s19, s22  }
0x44: {  	s22 =	sand.u32 @!p1 $0xFF, s22  }
0x45: {  	s22 =	smul.u32 @!p1 $0x7D00, s22;
	_ =	sdelay $0x1  }
0x46: {  	s23 =	sshrl.u32 @!p1 s20, $0x3;
	s22 =	sshrl.u32 @!p1 s22, $0x2  }
0x47: {  	s24 =	sand.u32 @!p1 $0x7, s20;
	s23 =	sadd.s32 @!p1 s2, s23;
	s22 =	sadd.s32 @!p1 $0x100, s22  }
0x48: {  	[tilespmem:s22], [sflag:$0x7] =	stream.linear.gather @!p1 [hbm4b:s23+s24], $0x1F40, $0x38;
	[tilespmem:$0x11A60] =	vst v63  }
0x49: {  	s22 =	sadd.s32 $0xFFFFFFFF, s19  }
0x4a: {  	p1 =	sgt.u32 s22, $0x31  }
.Ltmp2:
0x4b: {  	_ = 	snop;
	(pc) =	sbr.rel @p1 .LBB2_5-.Ltmp2, $1  }
0x4c: {  	_ =	sdelay $0x3  }
0x4d: {  	s23 =	smul.u32 $0xAB, s22;
	_ =	sdelay $0x1  }
0x4e: {  	s23 =	sshrl.u32 s23, $0x9  }
0x4f: {  	s23 =	sand.u32 $0x7F, s23  }
0x50: {  	s23 =	smul.u32 $0x3, s23;
	_ =	sdelay $0x1  }
0x51: {  	s23 =	ssub.s32 s22, s23  }
0x52: {  	s23 =	sand.u32 $0xFF, s23  }
0x53: {  	s23 =	smul.u32 $0x7D00, s23  }
0x54: {  	_ =	swait.ge [sflag:s5], $0x1F40  }
0x55: {  	[sflag:s5] =	ssyncset.done $0x0;
	s23 =	sshrl.u32 s23, $0x2  }
0x56: {  	[sflag:s5] =	ssyncadd.s32 $0xFFFFE0C0;
	(ifvalue) =	ssetifvalue $0xFFFFFFFF;
	v4 =	vld.msk [tilespmem:s23+$0x100 ss:$0x1], $0xffff  }
0x57: {  	s29 =	sand.u32 $0xFF, s14  }
0x58: {  	s24 =	smulhi.u32 $0x55555556, s29  }
0x59: {  	p1 =	sne.s32 s19, $0x1  }
0x5a: {  	v5 =	vimm.s32 @!p1 $0x0;
	s24 =	smul.u32 $0x17700, s24  }
0x5b: {  	s23 =	smul.u32 $0x7D00, s29;
	v5 =	vperm.xlane @!p1 v4, v5  }
0x5c: {  	s25 =	sshll.u32 s19, $0x4;
	vm4 =	vlt.u32 v4, $0x18800  }
0x5d: {  	s30 =	sand.u32 $0x10, s25;
	s23 =	ssub.s32 s23, s24;
	v4 =	vnsel vm4, $0xFFFFFFFE, v4;
	vm4 =	vlt.u32 @!p1 v5, $0x18800  }
0x5e: {  	s23 =	sshra.s32 s23, $0x2;
	[tilespmem:s30+$0x60] =	vst v4;
	v4 =	vnsel @!p1 vm4, $0xFFFFFFFE, v5  }
0x5f: {  	s26 =	sadd.s32 $0x2030, s23;
	[tilespmem:$0x80] =	vst @!p1 v4  }
0x60: {  	v4 =	vld.msk [tilespmem:s26+$0x0 ss:$0x1], $0xffff;
	_ =	sdelay $0x4  }
0x61: {  	(xrf1) =	vunique.msk.u32 $0xffff, v4;
	_ =	sdelay $0xd  }
0x62: {  	v5 =	vimm.s32 $0xFFFFFFFF;
	v6, _, _ =	vpop (xrf1)  }
0x63: {  	vm5 =	vne.s32 v4, v5;
	vm4 =	veq.s32 v6, v2  }
0x64: {  	vm6 =	vlt.u32 v4, $0x18800;
	vm4 =	vmand vm5, vm4  }
0x65: {  	vm4 =	vmand vm6, vm4  }
0x66: {  	v5 =	vnsel vm4, $0xFFFFFFFF, v4  }
0x67: {  	s31 =	sand.u32 $0x1, s22  }
0x68: {  	s22 =	simm.s32 $0x1F40;
	p1 =	seq.s32 s31, $0x1  }
0x69: {  	s22 =	simm.s32 @!p1 $0x0  }
0x6a: {  	s23 =	sadd.s32 $0x7DF0, s22;
	(ifvalue) =	ssetifvalue $0xFFFFFFFF  }
0x6b: {  	v4 =	vperm.xlane v4, v1;
	[tilespmem:s23], [sflag:$0x8] =	stream.indirect_vreg.gather [hbm4b:s1+s13], $0x1, v5, vm0, $0x4038;
	v5 =	vnsel vm6, $0xFFFFFFFE, v5;
	[tilespmem:$0x11A60] =	vst v63  }
0x6c: {  	s24 =	simm.s32 $0x0;
	s25 =	sadd.s32 $0xFFFFFFF0, s26;
	[tilespmem:s26+$0x0] =	vst v5  }
.LBB2_3:
0x6d: {  	v5 =	vld.msk [tilespmem:s25+$0x0 ss:$0x1], $0xffff;
	s24 =	sadd.s32 $0x10, s24;
	v6 =	vmov v4;
	s26 =	smov.u32 s25  }
0x6e: {  	p1 =	slt.u32 s24, $0x1F30;
	_ =	sdelay $0x4  }
0x6f: {  	v4 =	vperm.xlane v5, v1;
	(xrf1) =	vunique.msk.u32 $0xffff, v5;
	_ =	sdelay $0xd  }
0x70: {  	v7, _, _ =	vpop (xrf1)  }
0x71: {  	vm5 =	vne.s32 v5, v6;
	vm4 =	veq.s32 v7, v2  }
0x72: {  	vm6 =	vlt.u32 v5, $0x18800;
	vm4 =	vmand vm5, vm4  }
0x73: {  	vm4 =	vmand vm6, vm4  }
0x74: {  	v5 =	vnsel vm4, $0xFFFFFFFF, v5  }
.Ltmp3:
0x75: {  	v6 =	vnsel vm6, $0xFFFFFFFE, v5;
	(pc) =	sbr.rel @p1 .LBB2_3-.Ltmp3, $3  }
0x76: {  	_ =	sdelay $0x1  }
0x77: {  	s25 =	sadd.s32 $0xFFFFFFF0, s25;
	s23 =	sadd.s32 $0xFFFFFFF0, s23;
	(ifvalue) =	ssetifvalue $0xFFFFFFFF  }
0x78: {  	[tilespmem:s23], [sflag:$0x8] =	stream.indirect_vreg.gather [hbm4b:s1+s13], $0x1, v5, vm0, $0x4038;
	[tilespmem:s26+$0x0] =	vst v6  }
0x79: {  	s21 =	sshrl.u32 s21, $0x3  }
0x7a: {  	s22 =	sadd.s32 $0x9D40, s22;
	s21 =	sadd.s32 s3, s21  }
0x7b: {  	[tilespmem:s22], [sflag:$0x8] =	stream.linear.gather [hbm:s21], $0x1F40, $0x38;
	[tilespmem:$0x11A60] =	vst v63  }
.LBB2_5:
0x7c: {  	p1 =	slt.u32 s19, $0x2  }
0x7d: {  	p2 =	seq.s32 @!p1 s19, $0x34  }
0x7e: {  	p1 =	por p1, p2  }
.Ltmp4:
0x7f: {  	_ = 	snop;
	(pc) =	sbr.rel @p1 .LBB2_9-.Ltmp4, $1  }
0x80: {  	_ =	sdelay $0x3  }
0x81: {  	s21 =	sadd.s32 $0xFFFFFFFE, s19  }
0x82: {  	s22 =	smulhi.u32 $0xAAAAAAAB, s21;
	_ =	sdelay $0x1  }
0x83: {  	s22 =	sshrl.u32 s22, $0x1  }
0x84: {  	s22 =	smul.u32 $0x3, s22;
	_ =	sdelay $0x1  }
0x85: {  	s21 =	ssub.s32 s21, s22  }
0x86: {  	_ =	swait.ge [sflag:s7], $0x3E80;
	s25 =	smul.u32 $0x1F40, s21  }
0x87: {  	p1 =	sne.s32 s19, $0x33;
	[sflag:s7] =	ssyncset.done $0x0  }
0x88: {  	[sflag:s7] =	ssyncadd.s32 $0xFFFFC180;
	s21 =	sadd.s32 @!p1 $0x203F, s25  }
0x89: {  	[spmem:s10] =	stream.linear.scatter @!p1 [tilespmem:s21], [sflag:$0x1], $0x1, $0x38;
	[tilespmem:$0x11A60] =	vst v63  }
0x8a: {  	s21 =	simm.s32 @!p1 $0x1  }
0x8b: {  	_ =	swait.ge @!p1 [sflag:s21], $0x1  }
0x8c: {  	s26 =	sshll.u32 s19, $0x4;
	[sflag:s21] =	ssyncset.done @!p1 $0x0  }
0x8d: {  	[sflag:s21] =	ssyncadd.s32 @!p1 $0xFFFFFFFF;
	s21 =	sand.u32 $0x10, s26  }
0x8e: {  	v5 =	vld [tilespmem:s21+$0x10];
	s26 =	sxor.u32 $0x10, s21  }
0x8f: {  	v6 =	vld [tilespmem:s26+$0x60]  }
0x90: {  	v4 =	vld [tilespmem:$0x80];
	_ =	sdelay $0x2  }
0x91: {  	(v2sf) =	vpush v5, $0x0  }
0x92: {  	(v2sf) =	vpush v6, $0x0  }
0x93: {  	(v2sf) =	vpush v4, $0x0;
	_ =	sdelay $0xc  }
0x94: {  	s22 =	spop (v2sf)  }
0x95: {  	s24 =	spop (v2sf)  }
0x96: {  	s23 =	spop (v2sf)  }
0x97: {  	p2 =	seq.s32 s22, s24;
	p3 =	seq.s32 s23, s22  }
0x98: {  	p3 =	por p2, p3  }
0x99: {  	s22 =	sand.u32 $0x1, s19;
	v5 =	vpsel p3, $0xFFFFFFFF, v5  }
0x9a: {  	s24 =	smul.u32 $0x1F40, s22;
	[tilespmem:s21+$0x10] =	vst.msk $0x1, v5  }
0x9b: {  	v5 =	vld [tilespmem:$0x30]  }
0x9c: {  	v6 =	vld [tilespmem:s24+$0x9D40]  }
0x9d: {  	v7 =	vld [tilespmem:s21+$0x40];
	_ =	sdelay $0x2  }
0x9e: {  	vm4 =	vmmov vm1  }
0x9f: {  	vm5 =	vmmov vm2;
	vm4 =	vmmov @p2 vm2;
	s22 =	sshll.u32 s22, $0x4;
	v6 =	vmax.f32 v5, v6  }
0xa0: {  	vm5 =	vmmov @p3 vm1;
	s22 =	sor.u32 $0x11A40, s22;
	v5 =	vmax.f32 v5, v7;
	[tilespmem:s24+$0x9D40] =	vst.msk vm4, v6  }
0xa1: {  	[tilespmem:s22+$0x0] =	vst.msk vm5, v5  }
0xa2: {  	v5 =	vld [tilespmem:s24+$0x7DF0];
	_ =	sdelay $0x4  }
0xa3: {  	v5 =	vshift.insert v5, v3, s17  }
0xa4: {  	s28 =	sor.u32 $0x40, s26  }
0xa5: {  	v6 =	vimm.f32 $-Inf;
	[tilespmem:s28+$0x0] =	vst.msk $0x1, v5  }
0xa6: {  	[tilespmem:s24+$0x7DFF] =	vst.msk $0x1, v6  }
0xa7: {  	v5 =	vld [tilespmem:s25+$0x2030]  }
0xa8: {  	s25 =	smulhi.u32 $0xAAAAAAAB, s16;
	_ =	sdelay $0x1  }
0xa9: {  	s28 =	simm.s32 $0x1;
	s25 =	sshrl.u32 s25, $0x1  }
0xaa: {  	s28 =	simm.s32 @!p0 $0x0;
	s25 =	smul.u32 $0xFFFE8900, s25  }
0xab: {  	s28 =	smul.u32 $0x7D00, s28;
	v5 =	vshift.insert v5, v1, s17  }
0xac: {  	s25 =	sshra.s32 s25, $0x2  }
0xad: {  	s28 =	sshrl.u32 s28, $0x2;
	s29 =	sadd.s32 s25, s15;
	[tilespmem:s26+$0x10] =	vst.msk $0x1, v5  }
0xae: {  	s30 =	sadd.s32 $0x9D40, s28;
	v7 =	vld [tilespmem:s29+$0x0]  }
0xaf: {  	v8 =	vld [tilespmem:s30+$0x0];
	_ =	sdelay $0x4  }
0xb0: {  	vm4 =	vne.s32 v7, $0xFFFFFFFF;
	v6 =	vmax.f32 v8, v6  }
0xb1: {  	(xrf0) =	vmax.seg.scan.f32 vm4, v6  }
0xb2: {  	s31 =	sadd.s32 $0x5EC0, s28;
	v8 =	vld [tilespmem:$0xA0]  }
0xb3: {  	v9 =	vld [tilespmem:s31+$0x0];
	_ =	sdelay $0x1  }
0xb4: {  	v6 =	vperm.xlane v5, v1;
	_ =	sdelay $0x1  }
0xb5: {  	vm6 =	veq.s32 v7, v4;
	vm7 =	veq.s32 v7, v6;
	vm5 =	veq.s32 v8, $0x1;
	v8, _, _ =	vpop (xrf0)  }
0xb6: {  	vm8 =	vgt.u32 v7, $0xFFFFFFFD;
	vm7 =	vmor vm7, vm6;
	v9 =	vmax.f32 v8, v9  }
0xb7: {  	s25 =	sadd.s32 $0xDBC0, s28;
	v10 =	vld [tilespmem:$0x90];
	vm7 =	vmor vm7, vm8;
	v9 =	vsel vm6, v8, v9  }
0xb8: {  	[tilespmem:s25+$0x0] =	vst v9;
	v9 =	vsel vm7, $0xFFFFFFFF, v7;
	_ =	sdelay $0x1  }
0xb9: {  	vm9 =	vmand vm4, vm3  }
0xba: {  	s28 =	sadd.s32 $0x10, s30;
	s26 =	simm.s32 $0x0;
	s29 =	sadd.s32 $0x10, s29;
	v11 =	vsel vm9, $0xFF800000, v8  }
0xbb: {  	s30 =	sadd.s32 $0x10, s25;
	s31 =	sadd.s32 $0x10, s31;
	vm4 =	vmor vm5, vm6;
	v7 =	vsel vm6, v8, v10;
	v8 =	vshift.insert v11, v0, s17;
	(ifvalue) =	ssetifvalue $0xFFFFFFFF  }
.LBB2_7:
0xbc: {  	[hbm4b:s1+s13] =	stream.indirect_vreg.scatter [tilespmem:s25], [sflag:$0x2], $0x1, v9, vm0, $0x4038;
	[tilespmem:$0x11A60] =	vst v63  }
0xbd: {  	s26 =	sadd.s32 $0x10, s26;
	s25 =	smov.u32 s30;
	v9 =	vld [tilespmem:s29+$0x0]  }
0xbe: {  	p2 =	slt.u32 s26, $0x1F30;
	v10 =	vld [tilespmem:s28+$0x0];
	_ =	sdelay $0x4  }
0xbf: {  	vm5 =	vne.s32 v9, $0xFFFFFFFF;
	v8 =	vmax.f32 v10, v8  }
0xc0: {  	(xrf0) =	vmax.seg.scan.f32 vm5, v8;
	_ =	sdelay $0x1  }
0xc1: {  	v8 =	vld [tilespmem:s31+$0x0]  }
0xc2: {  	vm6 =	veq.s32 v9, v4;
	vm7 =	veq.s32 v9, v6  }
0xc3: {  	vm8 =	vgt.u32 v9, $0xFFFFFFFD;
	vm4 =	vmor vm4, vm6;
	vm7 =	vmor vm7, vm6  }
0xc4: {  	vm7 =	vmor vm7, vm8  }
.Ltmp5:
0xc5: {  	vm5 =	vmand vm5, vm3;
	v9 =	vsel vm7, $0xFFFFFFFF, v9;
	v10, _, _ =	vpop (xrf0);
	(pc) =	sbr.rel @p2 .LBB2_7-.Ltmp5, $4  }
0xc6: {  	v7 =	vsel vm6, v10, v7;
	v8 =	vmax.f32 v10, v8;
	v11 =	vsel vm5, $0xFF800000, v10  }
0xc7: {  	v10 =	vsel vm6, v10, v8;
	v8 =	vshift.insert v11, v0, s17  }
0xc8: {  	s29 =	sadd.s32 $0x10, s29;
	s28 =	sadd.s32 $0x10, s28;
	[tilespmem:s30+$0x0] =	vst v10  }
0xc9: {  	s31 =	sadd.s32 $0x10, s31;
	s30 =	sadd.s32 $0x10, s30;
	(ifvalue) =	ssetifvalue $0xFFFFFFFF  }
.Ltmp6:
0xca: {  	_ = 	snop;
	(pc) =	sbr.rel .LBB2_8-.Ltmp6, $1  }
0xcb: {  	_ =	sdelay $0x3  }
.LBB2_10:
0xcc: {  	_ =	sfence.sel $0x180000  }
0xcd: {  	s2 =	simm.s32 $0x7;
	[bflag:$0x0] =	sbarrier.arrive $0xFFFF  }
0xce: {  	s26 =	simm.s32 $0x8;
	[sflag:s2] =	ssyncpa.u1 $0x1  }
0xcf: {  	s28 =	simm.s32 $0x9;
	[sflag:s26] =	ssyncpa.u1 $0x1  }
0xd0: {  	[sflag:s28] =	ssyncpa.u1 $0x1  }
0xd1: {  	_ =	sfence.stream.spmem  }
0xd2: {  	s29 =	simm.s32 $0x3;
	[bflag:$0x0] =	sbarrier.arrive $0xFFFF  }
0xd3: {  	s30 =	simm.s32 $0x4;
	[sflag:s29] =	ssyncpa.u1 $0x1  }
0xd4: {  	s31 =	simm.s32 $0x3C;
	[sflag:s30] =	ssyncpa.u1 $0x1  }
0xd5: {  	p0 =	sne.s32 s4, $0x0;
	[sflag:s31] =	ssyncpa.u1 $0x1  }
0xd6: {  	s0 =	simm.s32 @p0 $0x1;
	_ =	sfence @p0  }
0xd7: {  	[sflag:s0] =	ssyncpa.u1 @p0 $0x1;
	s0 =	simm.s32 @p0 $0x2  }
0xd8: {  	[sflag:s0] =	ssyncpa.u1 @p0 $0x1  }
0xd9: {  	_ =	strace @p0 $0x90000047  }
0xda: {  	[bflag:$0x2] =	sbarrier.arrive @p0 $0xFFFF  }
0xdb: {  	_ =	shalt @p0  }
.LBB2_11:
0xdc: {  	_ =	sfence.stream.spmem;
	s3 =	simm.s32 $0x5  }
0xdd: {  	s2 =	simm.s32 $0x80;
	s4 =	simm.s32 $0xC0;
	[sflag:s3] =	ssyncpa.u1 $0x0  }
0xde: {  	[tilespmem:s4], [sflag:$0x5] =	stream.linear.gather [spmem:s2], $0x20, $0x38;
	[tilespmem:$0x11A60] =	vst v63  }
0xdf: {  	s30 =	simm.s32 $0xE0;
	s2 =	simm.s32 $0x0  }
0xe0: {  	[tilespmem:s30], [sflag:$0x5] =	stream.linear.gather [spmem:s2], $0x20, $0x38;
	[tilespmem:$0x11A60] =	vst v63  }
.Ltmp7:
0xe1: {  	_ = 	snop;
	(pc) =	sbr.rel .LBB2_12-.Ltmp7, $4  }
0xe2: {  	_ =	swait.ge [sflag:s3], $0x40  }
0xe3: {  	[sflag:s3] =	ssyncset.done $0x0  }
0xe4: {  	s31 =	simm.s32 $0x6;
	[sflag:s3] =	ssyncadd.s32 $0xFFFFFFC0  }
0xe5: {  	s3 =	simm.s32 $0x0;
	[sflag:s31] =	ssyncpa.u1 $0x0  }
.LBB2_17:
0xe6: {  	p0 =	sgt.u32 s4, $0x187FF  }
0xe7: {  	s5 =	sshrl.u32 @!p0 s4, $0x3  }
0xe8: {  	s4 =	sand.u32 @!p0 $0x7, s4;
	s6 =	simm.s32 @!p0 $0xB0;
	s5 =	sadd.s32 @!p0 s1, s5  }
0xe9: {  	[tilespmem:s6], [sflag:$0x6] =	stream.linear.gather @!p0 [hbm4b:s5+s4], $0x1, $0x38;
	[tilespmem:$0x11A60] =	vst v63  }
0xea: {  	s4 =	simm.s32 @!p0 $0x6  }
0xeb: {  	_ =	swait.ge @!p0 [sflag:s4], $0x1  }
0xec: {  	[sflag:s4] =	ssyncset.done @!p0 $0x0  }
0xed: {  	[sflag:s4] =	ssyncadd.s32 @!p0 $0xFFFFFFFF  }
0xee: {  	v1 =	vld.msk @!p0 [tilespmem:$0xB0], $0x1  }
0xef: {  	v2 =	vld.msk @!p0 [tilespmem:s3+$0xE0], $0x1;
	_ =	sdelay $0x4  }
0xf0: {  	v1 =	vmax.f32 @!p0 v2, v1  }
0xf1: {  	[tilespmem:s3+$0xE0] =	vst.msk @!p0 $0x1, v1  }
0xf2: {  	[tilespmem:s2+$0xC0] =	vst.msk $0x1, v0  }
0xf3: {  	v0 =	vld.msk [tilespmem:s3+$0xE0], $0x1;
	_ =	sdelay $0x4  }
0xf4: {  	[tilespmem:s2+$0xE0] =	vst.msk $0x1, v0;
	s2 =	sadd.s32 $0x1, s2  }
.LBB2_19:
0xf5: {  	s3 =	sadd.s32 $0x1, s3  }
0xf6: {  	p0 =	sne.s32 s3, $0x20  }
.Ltmp8:
0xf7: {  	_ = 	snop;
	(pc) =	sbr.rel @!p0 .LBB2_20-.Ltmp8, $1  }
0xf8: {  	_ =	sdelay $0x3  }
.LBB2_12:
0xf9: {  	v0 =	vld.msk [tilespmem:s3+$0xC0], $0x1;
	_ =	sdelay $0x4  }
0xfa: {  	(v2sf) =	vpush v0, $0x0;
	_ =	sdelay $0xe  }
0xfb: {  	s4 =	spop (v2sf)  }
0xfc: {  	p0 =	seq.s32 s4, $0xFFFFFFFF  }
.Ltmp9:
0xfd: {  	_ = 	snop;
	(pc) =	sbr.rel @p0 .LBB2_19-.Ltmp9, $1  }
0xfe: {  	_ =	sdelay $0x3  }
0xff: {  	p0 =	slt.s32 s2, $0x1  }
.Ltmp10:
0x100: {  	_ = 	snop;
	(pc) =	sbr.rel @p0 .LBB2_17-.Ltmp10, $1  }
0x101: {  	_ =	sdelay $0x3  }
0x102: {  	s5 =	simm.s32 $0xC0;
	p0 =	por $0x0, $0x0  }
0x103: {  	v1 =	vld.msk @!p0 [tilespmem:s5+$0x0], $0x1;
	_ =	sdelay $0x4  }
0x104: {  	(v2sf) =	vpush @!p0 v1, $0x0;
	_ =	sdelay $0xd  }
0x105: {  	p2 =	sne.s32 s2, $0x1  }
.Ltmp11:
0x106: {  	s6 =	spop @!p0 (v2sf);
	(pc) =	sbr.rel @!p2 .LBB2_16-.Ltmp11, $4  }
0x107: {  	p1 =	seq.s32 @!p0 s4, s6  }
0x108: {  	s6 =	simm.s32 $0x0;
	p1 =	por !p1, p0  }
0x109: {  	s8 =	simm.s32 $0xFFFFFFFF;
	s6 =	simm.s32 @p1 $0xFFFFFFFF  }
0x10a: {  	s7 =	simm.s32 $0x1;
	s6 =	smov.u32 @p0 s8  }
.LBB2_15:
0x10b: {  	s8 =	smov.u32 s6;
	p0 =	sne.s32 s6, $0xFFFFFFFF  }
0x10c: {  	s5 =	sadd.s32 $0x1, s5;
	s6 =	smov.u32 s7;
	s7 =	sadd.s32 $0x1, s7  }
0x10d: {  	p1 =	sne.s32 s2, s7;
	v1 =	vld.msk @!p0 [tilespmem:s5+$0x0], $0x1;
	_ =	sdelay $0x4  }
0x10e: {  	(v2sf) =	vpush @!p0 v1, $0x0;
	_ =	sdelay $0xe  }
.Ltmp12:
0x10f: {  	s9 =	spop @!p0 (v2sf);
	(pc) =	sbr.rel @p1 .LBB2_15-.Ltmp12, $4  }
0x110: {  	p2 =	seq.s32 @!p0 s4, s9  }
0x111: {  	p2 =	por !p2, p0  }
0x112: {  	s6 =	simm.s32 @p2 $0xFFFFFFFF  }
0x113: {  	s6 =	smov.u32 @p0 s8  }
.LBB2_16:
0x114: {  	p0 =	sne.s32 s6, $0xFFFFFFFF  }
.Ltmp13:
0x115: {  	_ = 	snop;
	(pc) =	sbr.rel @!p0 .LBB2_17-.Ltmp13, $1  }
0x116: {  	_ =	sdelay $0x3  }
0x117: {  	v0 =	vld.msk [tilespmem:s3+$0xE0], $0x1  }
0x118: {  	v1 =	vld.msk [tilespmem:s6+$0xE0], $0x1;
	_ =	sdelay $0x1  }
.Ltmp14:
0x119: {  	_ = 	snop;
	(pc) =	sbr.rel .LBB2_19-.Ltmp14, $3  }
0x11a: {  	_ =	sdelay $0x1  }
0x11b: {  	v0 =	vmax.f32 v1, v0  }
0x11c: {  	[tilespmem:s6+$0xE0] =	vst.msk $0x1, v0  }
.LBB2_20:
0x11d: {  	p0 =	slt.s32 s2, $0x1  }
.Ltmp15:
0x11e: {  	_ = 	snop;
	(pc) =	sbr.rel @p0 .LBB2_24-.Ltmp15, $3  }
0x11f: {  	_ =	sdelay $0x1  }
0x120: {  	s3 =	simm.s32 $0x6  }
0x121: {  	[sflag:s3] =	ssyncpa.u1 $0x1;
	s3 =	simm.s32 $0x0  }
0x122: {  	s4 =	simm.s32 $0xC0  }
0x123: {  	v0 =	vld.msk [tilespmem:s4+$0x0], $0x1;
	_ =	sdelay $0x4  }
0x124: {  	(v2sf) =	vpush v0, $0x0;
	_ =	sdelay $0xe  }
0x125: {  	s2 =	sadd.s32 $0xFFFFFFFF, s2;
	s5 =	spop (v2sf)  }
0x126: {  	p1 =	sne.s32 s2, $0x0;
	p0 =	sgt.u32 s5, $0x187FF  }
.Ltmp16:
0x127: {  	s6 =	sshrl.u32 @!p0 s5, $0x3;
	(pc) =	sbr.rel @!p1 .LBB2_23-.Ltmp16, $4  }
0x128: {  	s4 =	simm.s32 $0xE0;
	s5 =	sand.u32 @!p0 $0x7, s5;
	s6 =	sadd.s32 @!p0 s1, s6  }
0x129: {  	[hbm4b:s6+s5] =	stream.linear.scatter @!p0 [tilespmem:s4], [sflag:$0x5], $0x1, $0x38;
	[tilespmem:$0x11A60] =	vst v63  }
0x12a: {  	s6 =	simm.s32 $0x0  }
0x12b: {  	s5 =	simm.s32 $0xC1;
	s6 =	simm.s32 @!p0 $0x4  }
.LBB2_22:
0x12c: {  	v0 =	vld.msk [tilespmem:s5+$0x0], $0x1;
	s2 =	sadd.s32 $0xFFFFFFFF, s2;
	s3 =	sadd.s32 s3, s6  }
0x12d: {  	p0 =	sne.s32 s2, $0x0;
	_ =	sdelay $0x3  }
0x12e: {  	(v2sf) =	vpush v0, $0x0;
	_ =	sdelay $0xe  }
.Ltmp17:
0x12f: {  	s7 =	spop (v2sf);
	(pc) =	sbr.rel @p0 .LBB2_22-.Ltmp17, $4  }
0x130: {  	s6 =	simm.s32 $0x0;
	p1 =	sgt.u32 s7, $0x187FF  }
0x131: {  	s4 =	sadd.s32 $0x1, s4;
	s6 =	simm.s32 @!p1 $0x4;
	s8 =	sshrl.u32 @!p1 s7, $0x3  }
0x132: {  	s5 =	sadd.s32 $0x1, s5;
	s7 =	sand.u32 @!p1 $0x7, s7;
	s8 =	sadd.s32 @!p1 s1, s8  }
0x133: {  	[hbm4b:s8+s7] =	stream.linear.scatter @!p1 [tilespmem:s4], [sflag:$0x5], $0x1, $0x38;
	[tilespmem:$0x11A60] =	vst v63  }
.LBB2_23:
0x134: {  	s1 =	sadd.s32 s3, s6  }
0x135: {  	s3 =	sshrl.u32 s1, $0x2  }
.LBB2_24:
0x136: {  	s1 =	simm.s32 $0x5  }
0x137: {  	_ =	swait.ge [sflag:s1], s3  }
0x138: {  	s2 =	ssub.s32 $0x0, s3;
	[sflag:s1] =	ssyncset.done $0x0  }
0x139: {  	[sflag:s1] =	ssyncadd.s32 s2  }
0x13a: {  	[sflag:s1] =	ssyncpa.u1 $0x1  }
0x13b: {  	s30 =	simm.s32 $0x1;
	_ =	sfence  }
0x13c: {  	s31 =	simm.s32 $0x2;
	[sflag:s30] =	ssyncpa.u1 $0x1  }
0x13d: {  	[sflag:s31] =	ssyncpa.u1 $0x1  }
0x13e: {  	_ =	strace $0x90000047  }
0x13f: {  	s0 =	sadd.s32 $0x100000, s0;
	[bflag:$0x2] =	sbarrier.arrive $0xFFFF  }
0x140: {  	[sflag:s0] =	ssyncadd.tile.s32 $0x1;
	_ =	shalt  }
.Lfunc_end2:
_tile_overlayer_lowered:
.L_overlay_start_2:
0x141: {  	(tag) =	ssettag $0x2  }
0x142: {  	s0 =	rddreg [dreg:$0x0];
	s2 =	stileid.u32  }
0x143: {  	s1 =	rddreg [dreg:$0x1];
	p0 =	sne.s32 s2, $0x0  }
0x144: {  	s3 =	rddreg [dreg:$0x2];
	[bflag:$0x3] =	sbarrier.arrive $0xFFFF;
	s2 =	simm.s32 @!p0 $0x1C01  }
0x145: {  	[timem:s3], [sflag:s2] =	dma.local @!p0 [hbm:s0], s1  }
0x146: {  	s0 =	simm.s32 @!p0 $0x1  }
0x147: {  	_ =	swait.ge @!p0 [sflag:s0], s1  }
0x148: {  	s1 =	ssub.s32 @!p0 $0x0, s1;
	[sflag:s0] =	ssyncset.done @!p0 $0x0  }
0x149: {  	[sflag:s0] =	ssyncadd.s32 @!p0 s1  }
0x14a: {  	[bflag:$0x3] =	sbarrier.arrive $0xFFFF  }
0x14b: {  	_ =	shalt  }

</sc_bundles>
